<compile_context>
chip_gen: v7x
topology: tpu7x:2x2x1
jax: 0.10.2.dev20260603
libtpu: 0.0.44.dev20260713+nightly
codegen_flags: <defaults>
</compile_context>

<pallas_src>
import functools

import jax
import jax.numpy as jnp
from jax import lax
from jax.experimental import pallas as pl
from jax.experimental.pallas import tpu as pltpu
from jax.experimental.pallas import tpu_sc as plsc

N = 10000
NP = 10240
E = 320000
D = 128
NORD = 10
NC, NS, L = 2, 16, 16
NW = NC * NS

ROWS_PER_TILE = NP // NS
K = 80
EPT_A = E // NS
NCH_A = EPT_A // K
EPW_C = E // NW
NCH_C = EPW_C // K


def _zero_rows(zbuf, nrows, ncols):
    zeros16 = jnp.zeros((L,), jnp.float32)

    def body(i, _):
        for j in range(ncols // L):
            zbuf[i, pl.ds(j * L, L)] = zeros16
        return 0

    lax.fori_loop(0, nrows, body, 0)


def _degrees(src1, dst1):
    mesh = plsc.VectorSubcoreMesh(core_axis_name="c", subcore_axis_name="s")

    @functools.partial(
        pl.kernel,
        mesh=mesh,
        out_type=(
            jax.ShapeDtypeStruct((NP, D), jnp.float32),
            jax.ShapeDtypeStruct((NP, D), jnp.float32),
        ),
        scratch_types=[
            pltpu.VMEM_SHARED((NP, L), jnp.float32),
            pltpu.VMEM((ROWS_PER_TILE, L), jnp.float32),
            pltpu.VMEM((K, L), jnp.float32),
            pltpu.VMEM((EPT_A,), jnp.int32),
            pltpu.SemaphoreType.DMA,
        ],
        compiler_params=pltpu.CompilerParams(use_tc_tiling_on_sc=False),
    )
    def k(src_hbm, dst_hbm, ocnt_hbm, icnt_hbm, acc, zbuf, ones_b, idx_all,
          sem):
        c = lax.axis_index("c")
        s = lax.axis_index("s")

        @pl.when(c == 0)
        def _():
            pltpu.sync_copy(src_hbm.at[pl.ds(s * EPT_A, EPT_A)], idx_all)

        @pl.when(c == 1)
        def _():
            pltpu.sync_copy(dst_hbm.at[pl.ds(s * EPT_A, EPT_A)], idx_all)

        _zero_rows(zbuf, ROWS_PER_TILE, L)
        pltpu.sync_copy(zbuf, acc.at[pl.ds(s * ROWS_PER_TILE, ROWS_PER_TILE)])
        ones16 = jnp.ones((L,), jnp.float32)
        for i in range(K):
            ones_b[i, :] = ones16
        plsc.subcore_barrier()

        def gbody(g, _):
            for u in range(5):
                pltpu.async_copy(
                    ones_b, acc.at[idx_all.at[pl.ds((g * 5 + u) * K, K)]],
                    sem, add=True)
            for u in range(5):
                pltpu.make_async_copy(ones_b, acc.at[idx_all.at[pl.ds(0, K)]],
                                      sem).wait()
            return 0

        lax.fori_loop(0, NCH_A // 5, gbody, 0)
        plsc.subcore_barrier()
        row0 = s * ROWS_PER_TILE

        @pl.when(c == 0)
        def _():
            pltpu.sync_copy(acc.at[pl.ds(row0, ROWS_PER_TILE)],
                            ocnt_hbm.at[pl.ds(row0, ROWS_PER_TILE),
                                        pl.ds(0, L)])

        @pl.when(c == 1)
        def _():
            pltpu.sync_copy(acc.at[pl.ds(row0, ROWS_PER_TILE)],
                            icnt_hbm.at[pl.ds(row0, ROWS_PER_TILE),
                                        pl.ds(0, L)])

    return k(src1, dst1)


def _gidx_body(ei_ref, ord_ref, gidx_ref, src_ref, dst_ref):
    s = ei_ref[0]
    gidx_ref[...] = ord_ref[...] * N + s
    src_ref[...] = s
    dst_ref[...] = ei_ref[1]


def _gidx(ei3, ord2):
    R = E // D
    return pl.pallas_call(
        _gidx_body,
        out_shape=(
            jax.ShapeDtypeStruct((R, D), jnp.int32),
            jax.ShapeDtypeStruct((R, D), jnp.int32),
            jax.ShapeDtypeStruct((R, D), jnp.int32),
        ),
    )(ei3, ord2)


def _transform_body(feat_ref, cnt_ref, wt_ref, out_ref):
    cnt = cnt_ref[:, 0:1]
    scale = 1.0 / jnp.sqrt(jnp.maximum(cnt, 1.0))
    res = jnp.dot(feat_ref[...] * scale, wt_ref[...],
                  preferred_element_type=jnp.float32)
    for o in range(NORD):
        out_ref[o] = res[:, o * D:(o + 1) * D]


def _transform(feat, ocnt, wt):
    blk = 1000
    return pl.pallas_call(
        _transform_body,
        grid=(N // blk,),
        in_specs=[
            pl.BlockSpec((blk, D), lambda i: (i, 0)),
            pl.BlockSpec((blk, D), lambda i: (i, 0)),
            pl.BlockSpec((D, NORD * D), lambda i: (0, 0)),
        ],
        out_specs=pl.BlockSpec((NORD, blk, D), lambda i: (0, i, 0)),
        out_shape=jax.ShapeDtypeStruct((NORD, N, D), jnp.float32),
    )(feat, ocnt, wt)


def _gather_scatter(tt, gidx1, dst1):
    mesh = plsc.VectorSubcoreMesh(core_axis_name="c", subcore_axis_name="s")
    SEC, CPS = 5, NCH_C // 5
    EPS = CPS * K

    @functools.partial(
        pl.kernel,
        mesh=mesh,
        out_type=jax.ShapeDtypeStruct((NC, NP, D), jnp.float32),
        scratch_types=[
            pltpu.VMEM_SHARED((NP, D), jnp.float32),
            pltpu.VMEM((EPS,), jnp.int32),
            pltpu.VMEM((EPS,), jnp.int32),
            pltpu.VMEM((K, D), jnp.float32),
            pltpu.VMEM((K, D), jnp.float32),
            pltpu.VMEM((K, D), jnp.float32),
            pltpu.VMEM((K, D), jnp.float32),
            pltpu.SemaphoreType.DMA,
            pltpu.SemaphoreType.DMA,
            pltpu.SemaphoreType.DMA,
            pltpu.SemaphoreType.DMA,
        ],
        compiler_params=pltpu.CompilerParams(use_tc_tiling_on_sc=False),
    )
    def k(tt_hbm, gidx_hbm, dst_hbm, part_hbm,
          acc, gidx_sec, dst_sec, rows0, rows1, rows2, rows3,
          gs0, gs1, gs2, gs3):
        c = lax.axis_index("c")
        s = lax.axis_index("s")
        wid = s * NC + c
        row0 = s * ROWS_PER_TILE
        ebase = wid * EPW_C

        _zero_rows(rows0, K, D)
        for r in range(8):
            pltpu.sync_copy(rows0, acc.at[pl.ds(row0 + r * K, K)])
        plsc.subcore_barrier()

        def sbody(sec, _):
            pltpu.sync_copy(gidx_hbm.at[pl.ds(ebase + sec * EPS, EPS)],
                            gidx_sec)
            pltpu.sync_copy(dst_hbm.at[pl.ds(ebase + sec * EPS, EPS)],
                            dst_sec)
            pltpu.async_copy(tt_hbm.at[gidx_sec.at[pl.ds(0, K)]], rows0, gs0)
            pltpu.async_copy(tt_hbm.at[gidx_sec.at[pl.ds(K, K)]], rows1, gs1)
            pltpu.async_copy(tt_hbm.at[gidx_sec.at[pl.ds(2 * K, K)]], rows2,
                             gs2)

            def body(i, _):
                def step(rcur, gcur, rfar, gfar):
                    pltpu.make_async_copy(
                        tt_hbm.at[gidx_sec.at[pl.ds(i * K, K)]], rcur,
                        gcur).wait()

                    @pl.when(i + 3 < CPS)
                    def _():
                        pltpu.async_copy(
                            tt_hbm.at[gidx_sec.at[pl.ds((i + 3) * K, K)]],
                            rfar, gfar)

                    pltpu.sync_copy(rcur, acc.at[dst_sec.at[pl.ds(i * K, K)]],
                                    add=True)

                @pl.when(i % 4 == 0)
                def _():
                    step(rows0, gs0, rows3, gs3)

                @pl.when(i % 4 == 1)
                def _():
                    step(rows1, gs1, rows0, gs0)

                @pl.when(i % 4 == 2)
                def _():
                    step(rows2, gs2, rows1, gs1)

                @pl.when(i % 4 == 3)
                def _():
                    step(rows3, gs3, rows2, gs2)

                return 0

            lax.fori_loop(0, CPS, body, 0)
            return 0

        lax.fori_loop(0, SEC, sbody, 0)
        plsc.subcore_barrier()

        @pl.when(c == 0)
        def _():
            pltpu.sync_copy(acc.at[pl.ds(row0, ROWS_PER_TILE)],
                            part_hbm.at[0, pl.ds(row0, ROWS_PER_TILE)])

        @pl.when(c == 1)
        def _():
            pltpu.sync_copy(acc.at[pl.ds(row0, ROWS_PER_TILE)],
                            part_hbm.at[1, pl.ds(row0, ROWS_PER_TILE)])

    return k(tt, gidx1, dst1)


def _final_body(part_ref, cnt_ref, bias_ref, out_ref):
    p = part_ref[0] + part_ref[1]
    cnt = cnt_ref[:, 0:1]
    scale = 1.0 / jnp.sqrt(jnp.maximum(cnt, 1.0))
    out_ref[...] = p * scale + bias_ref[...]


def _finalize(part, icnt, bias2d):
    blk = 1000
    return pl.pallas_call(
        _final_body,
        grid=(N // blk,),
        in_specs=[
            pl.BlockSpec((NC, blk, D), lambda i: (0, i, 0)),
            pl.BlockSpec((blk, D), lambda i: (i, 0)),
            pl.BlockSpec((1, D), lambda i: (0, 0)),
        ],
        out_specs=pl.BlockSpec((blk, D), lambda i: (i, 0)),
        out_shape=jax.ShapeDtypeStruct((N, D), jnp.float32),
    )(part, icnt, bias2d)


def kernel(feat, edge_index, edge_order, o_emb_weight, bias):
    ei3 = edge_index.astype(jnp.int32).reshape(2, E // D, D)
    order = edge_order.astype(jnp.int32)
    gidx2, src2, dst2 = _gidx(ei3, order.reshape(E // D, D))
    src1 = src2.reshape(E)
    dst1 = dst2.reshape(E)
    ocnt, icnt = _degrees(src1, dst1)
    wt = o_emb_weight.reshape(NORD, D, D).transpose(2, 0, 1).reshape(D, NORD * D)
    t = _transform(feat, ocnt, wt)
    part = _gather_scatter(t.reshape(NORD * N, D), gidx2.reshape(E), dst1)
    return _finalize(part, icnt, bias.reshape(1, D))

# --- scband reference (transcript-rebuilt; emitter-appended) ---
"""Pipeline reference for scband-rconv-88192858456461 (READ-ONLY COPY).

The authoritative reference and input builder live on the scoring server;
editing this copy changes nothing except your own understanding.
"""

import jax, jax.numpy as jnp
import numpy as np

N_NODES = 10000
N_EDGES = 320000
IN_FEATS = 128
OUT_FEATS = 128
N_ORDERS = 10


def setup_inputs(seed: int = 0) -> dict:
    key = jax.random.key(seed)
    k1, k2, k3, k4 = jax.random.split(key, 4)
    feat = jax.random.normal(k1, (N_NODES, IN_FEATS), dtype=jnp.float32)
    edge_index = jax.random.randint(k2, (2, N_EDGES), 0, N_NODES, dtype=jnp.int64)
    edge_order = jax.random.randint(k3, (N_EDGES,), 0, N_ORDERS, dtype=jnp.int64)
    # o_emb weight: xavier_uniform_ over shape [10, in*out]
    fan_in, fan_out = N_ORDERS, IN_FEATS * OUT_FEATS
    bound = float(np.sqrt(6.0 / (fan_in + fan_out)))
    o_emb_weight = jax.random.uniform(k4, (N_ORDERS, IN_FEATS * OUT_FEATS), dtype=jnp.float32, minval=-bound, maxval=bound)
    bias = jnp.zeros((OUT_FEATS,), dtype=jnp.float32)  # reset_parameters zeros the bias
    return {"feat": feat, "edge_index": edge_index, "edge_order": edge_order, "o_emb_weight": o_emb_weight, "bias": bias}


def reference(feat, edge_index, edge_order, o_emb_weight, bias):
    N = feat.shape[0]
    src = edge_index[0]
    dst = edge_index[1]
    # norm 'both': pre-scale by out-degree^-0.5
    out_deg = jnp.clip(jnp.bincount(src, length=N).astype(jnp.float32), 1.0)
    feat_n = feat * (out_deg ** -0.5)[:, None]
    # per-order weight matrices W[o] of shape [out, in] (view(-1, out, in))
    W = o_emb_weight.reshape(N_ORDERS, OUT_FEATS, IN_FEATS)
    # message: h_m[e] = W[order[e]] @ feat_n[src[e]].
    # Equivalent (linear) formulation: transform each node by all 10 relation mats,
    # then gather by (node, order) per edge.
    t = jnp.einsum('ni,ofi->nof', feat_n, W)  # [N, 10, out]
    h_m = t[src, edge_order]  # [E, out]
    # reduce: sum over incoming edges per dst node
    rst = jax.ops.segment_sum(h_m, dst, num_segments=N)
    # post-scale by in-degree^-0.5
    in_deg = jnp.clip(jnp.bincount(dst, length=N).astype(jnp.float32), 1.0)
    rst = rst * (in_deg ** -0.5)[:, None]
    return rst + bias

if __name__ == "__main__":
    import jax
    _d = setup_inputs()
    print(jax.jit(kernel)(*tuple(_d.values())))

</pallas_src>

<mosaic_0001>
#map = affine_map<(d0, d1) -> (0)>
#map1 = affine_map<(d0, d1) -> (0, 0)>
module attributes {stable_mosaic.version = 14 : i64} {
  func.func @k(%arg0: i32, %arg1: i32, %arg2: memref<320000xi32, #tpu.memory_space<hbm>>, %arg3: memref<320000xi32, #tpu.memory_space<hbm>>, %arg4: memref<10240x128xf32, #tpu.memory_space<hbm>>, %arg5: memref<10240x128xf32, #tpu.memory_space<hbm>>, %arg6: memref<10240x16xf32, #tpu.memory_space<vmem_shared>>, %arg7: memref<640x16xf32, #tpu.memory_space<vmem>>, %arg8: memref<80x16xf32, #tpu.memory_space<vmem>>, %arg9: memref<20000xi32, #tpu.memory_space<vmem>>, %arg10: memref<!tpu.dma_semaphore, #tpu.memory_space<semaphore_mem>>) attributes {dimension_semantics = [#tpu.dimension_semantics<core_parallel>, #tpu.dimension_semantics<subcore_parallel>], iteration_bounds = array<i64: 2, 16>, scalar_prefetch = 0 : i64, scratch_operands = 5 : i64, tpu.core_type = #tpu.core_type<sc_vector_subcore>, window_params = [{transform_indices = #map}, {transform_indices = #map}, {transform_indices = #map1}, {transform_indices = #map1}]} {
    %eq3A = arith.constant 0 : i32
    %eq3A_0 = arith.cmpi eq, %arg0, %eq3A : i32
    %convert_element_type3A = arith.extui %eq3A_0 : i1 to i32
    %cond3A = arith.constant 0 : i32
    %cond3A_1 = arith.cmpi ne, %convert_element_type3A, %cond3A : i32
    scf.if %cond3A_1 {
      %mul3A_516 = arith.constant 20000 : i32
      %mul3A_517 = arith.muli %arg1, %mul3A_516 : i32
      "tpu.region"() ({
        %run_scoped3A = tpu.sem_alloc : memref<!tpu.dma_semaphore, #tpu.memory_space<semaphore_mem>>
        %dma_start3A = tpu.memref_slice %arg2[%mul3A_517] : memref<320000xi32, #tpu.memory_space<hbm>> -> memref<20000xi32, #tpu.memory_space<hbm>>
        %dma_start3A_518 = tpu.memref_slice %arg2[%mul3A_517] : memref<320000xi32, #tpu.memory_space<hbm>> -> memref<20000xi32, #tpu.memory_space<hbm>>
        tpu.enqueue_dma source(%dma_start3A_518 : memref<20000xi32, #tpu.memory_space<hbm>>) target(%arg9 : memref<20000xi32, #tpu.memory_space<vmem>>) target_semaphore(%run_scoped3A : memref<!tpu.dma_semaphore, #tpu.memory_space<semaphore_mem>>)
        %dma_wait3A = tpu.memref_slice %arg2[%mul3A_517] : memref<320000xi32, #tpu.memory_space<hbm>> -> memref<20000xi32, #tpu.memory_space<hbm>>
        %dma_wait3A_519 = tpu.memref_slice %arg2[%mul3A_517] : memref<320000xi32, #tpu.memory_space<hbm>> -> memref<20000xi32, #tpu.memory_space<hbm>>
        tpu.wait_dma2 semaphore(%run_scoped3A : memref<!tpu.dma_semaphore, #tpu.memory_space<semaphore_mem>>) src(%dma_wait3A_519 : memref<20000xi32, #tpu.memory_space<hbm>>) dst(%arg9 : memref<20000xi32, #tpu.memory_space<vmem>>)
        tpu.yield
      }) : () -> ()
    } else {
    }
    %eq3A_2 = arith.constant 1 : i32
    %eq3A_3 = arith.cmpi eq, %arg0, %eq3A_2 : i32
    %convert_element_type3A_4 = arith.extui %eq3A_3 : i1 to i32
    %cond3A_5 = arith.constant 0 : i32
    %cond3A_6 = arith.cmpi ne, %convert_element_type3A_4, %cond3A_5 : i32
    scf.if %cond3A_6 {
      %mul3A_516 = arith.constant 20000 : i32
      %mul3A_517 = arith.muli %arg1, %mul3A_516 : i32
      "tpu.region"() ({
        %run_scoped3A = tpu.sem_alloc : memref<!tpu.dma_semaphore, #tpu.memory_space<semaphore_mem>>
        %dma_start3A = tpu.memref_slice %arg3[%mul3A_517] : memref<320000xi32, #tpu.memory_space<hbm>> -> memref<20000xi32, #tpu.memory_space<hbm>>
        %dma_start3A_518 = tpu.memref_slice %arg3[%mul3A_517] : memref<320000xi32, #tpu.memory_space<hbm>> -> memref<20000xi32, #tpu.memory_space<hbm>>
        tpu.enqueue_dma source(%dma_start3A_518 : memref<20000xi32, #tpu.memory_space<hbm>>) target(%arg9 : memref<20000xi32, #tpu.memory_space<vmem>>) target_semaphore(%run_scoped3A : memref<!tpu.dma_semaphore, #tpu.memory_space<semaphore_mem>>)
        %dma_wait3A = tpu.memref_slice %arg3[%mul3A_517] : memref<320000xi32, #tpu.memory_space<hbm>> -> memref<20000xi32, #tpu.memory_space<hbm>>
        %dma_wait3A_519 = tpu.memref_slice %arg3[%mul3A_517] : memref<320000xi32, #tpu.memory_space<hbm>> -> memref<20000xi32, #tpu.memory_space<hbm>>
        tpu.wait_dma2 semaphore(%run_scoped3A : memref<!tpu.dma_semaphore, #tpu.memory_space<semaphore_mem>>) src(%dma_wait3A_519 : memref<20000xi32, #tpu.memory_space<hbm>>) dst(%arg9 : memref<20000xi32, #tpu.memory_space<vmem>>)
        tpu.yield
      }) : () -> ()
    } else {
    }
    %broadcast_in_dim3A = arith.constant 0.000000e+00 : f32
    %broadcast_in_dim3A_7 = vector.broadcast %broadcast_in_dim3A : f32 to vector<16xf32>
    %scan3A = arith.constant 0 : i32
    %scan3A_8 = arith.constant 0 : i32
    %scan3A_9 = arith.constant 640 : i32
    %scan3A_10 = arith.addi %scan3A_8, %scan3A_9 : i32
    %scan3A_11 = arith.constant 1 : i32
    %scan3A_12 = scf.for %scan3A_516 = %scan3A_8 to %scan3A_10 step %scan3A_11 iter_args(%scan3A_517 = %scan3A) -> (i32)  : i32 {
      %swap3A_518 = arith.index_cast %scan3A_516 : i32 to index
      %swap3A_519 = arith.constant 0 : index
      %swap3A_520 = tpu.vector_load %arg7[%swap3A_518, %swap3A_519] {strides = array<i32>} : memref<640x16xf32, #tpu.memory_space<vmem>>, vector<1x16xf32>,
      %swap3A_521 = vector.shape_cast %swap3A_520 : vector<1x16xf32> to vector<16xf32>
      %swap3A_522 = vector.shape_cast %broadcast_in_dim3A_7 : vector<16xf32> to vector<1x16xf32>
      tpu.vector_store %arg7[%swap3A_518, %swap3A_519], %swap3A_522 {strides = array<i32>} : memref<640x16xf32, #tpu.memory_space<vmem>>, vector<1x16xf32>,
      %scan3A_523 = arith.constant 0 : i32
      scf.yield %scan3A_523 : i32
    }
    %scan3A_13 = arith.constant 640 : i32
    %mul3A = arith.constant 640 : i32
    %mul3A_14 = arith.muli %arg1, %mul3A : i32
    "tpu.region"() ({
      %run_scoped3A = tpu.sem_alloc : memref<!tpu.dma_semaphore, #tpu.memory_space<semaphore_mem>>
      %dma_start3A = arith.constant 0 : i32
      %dma_start3A_516 = tpu.memref_slice %arg6[%mul3A_14, %dma_start3A] : memref<10240x16xf32, #tpu.memory_space<vmem_shared>> -> memref<640x16xf32, #tpu.memory_space<vmem_shared>>
      %dma_start3A_517 = arith.constant 0 : i32
      %dma_start3A_518 = tpu.memref_slice %arg6[%mul3A_14, %dma_start3A_517] : memref<10240x16xf32, #tpu.memory_space<vmem_shared>> -> memref<640x16xf32, #tpu.memory_space<vmem_shared>>
      tpu.enqueue_dma source(%arg7 : memref<640x16xf32, #tpu.memory_space<vmem>>) target(%dma_start3A_518 : memref<640x16xf32, #tpu.memory_space<vmem_shared>>) target_semaphore(%run_scoped3A : memref<!tpu.dma_semaphore, #tpu.memory_space<semaphore_mem>>)
      %dma_wait3A = arith.constant 0 : i32
      %dma_wait3A_519 = tpu.memref_slice %arg6[%mul3A_14, %dma_wait3A] : memref<10240x16xf32, #tpu.memory_space<vmem_shared>> -> memref<640x16xf32, #tpu.memory_space<vmem_shared>>
      %dma_wait3A_520 = arith.constant 0 : i32
      %dma_wait3A_521 = tpu.memref_slice %arg6[%mul3A_14, %dma_wait3A_520] : memref<10240x16xf32, #tpu.memory_space<vmem_shared>> -> memref<640x16xf32, #tpu.memory_space<vmem_shared>>
      tpu.wait_dma2 semaphore(%run_scoped3A : memref<!tpu.dma_semaphore, #tpu.memory_space<semaphore_mem>>) src(%arg7 : memref<640x16xf32, #tpu.memory_space<vmem>>) dst(%dma_wait3A_521 : memref<640x16xf32, #tpu.memory_space<vmem_shared>>)
      tpu.yield
    }) : () -> ()
    %broadcast_in_dim3A_15 = arith.constant 1.000000e+00 : f32
    %broadcast_in_dim3A_16 = vector.broadcast %broadcast_in_dim3A_15 : f32 to vector<16xf32>
    %swap3A = arith.constant 0 : i32
    %swap3A_17 = arith.index_cast %swap3A : i32 to index
    %swap3A_18 = arith.constant 0 : index
    %swap3A_19 = tpu.vector_load %arg8[%swap3A_17, %swap3A_18] {strides = array<i32>} : memref<80x16xf32, #tpu.memory_space<vmem>>, vector<1x16xf32>,
    %swap3A_20 = vector.shape_cast %swap3A_19 : vector<1x16xf32> to vector<16xf32>
    %swap3A_21 = vector.shape_cast %broadcast_in_dim3A_16 : vector<16xf32> to vector<1x16xf32>
    tpu.vector_store %arg8[%swap3A_17, %swap3A_18], %swap3A_21 {strides = array<i32>} : memref<80x16xf32, #tpu.memory_space<vmem>>, vector<1x16xf32>,
    %swap3A_22 = arith.constant 1 : i32
    %swap3A_23 = arith.index_cast %swap3A_22 : i32 to index
    %swap3A_24 = arith.constant 0 : index
    %swap3A_25 = tpu.vector_load %arg8[%swap3A_23, %swap3A_24] {strides = array<i32>} : memref<80x16xf32, #tpu.memory_space<vmem>>, vector<1x16xf32>,
    %swap3A_26 = vector.shape_cast %swap3A_25 : vector<1x16xf32> to vector<16xf32>
    %swap3A_27 = vector.shape_cast %broadcast_in_dim3A_16 : vector<16xf32> to vector<1x16xf32>
    tpu.vector_store %arg8[%swap3A_23, %swap3A_24], %swap3A_27 {strides = array<i32>} : memref<80x16xf32, #tpu.memory_space<vmem>>, vector<1x16xf32>,
    %swap3A_28 = arith.constant 2 : i32
    %swap3A_29 = arith.index_cast %swap3A_28 : i32 to index
    %swap3A_30 = arith.constant 0 : index
    %swap3A_31 = tpu.vector_load %arg8[%swap3A_29, %swap3A_30] {strides = array<i32>} : memref<80x16xf32, #tpu.memory_space<vmem>>, vector<1x16xf32>,
    %swap3A_32 = vector.shape_cast %swap3A_31 : vector<1x16xf32> to vector<16xf32>
    %swap3A_33 = vector.shape_cast %broadcast_in_dim3A_16 : vector<16xf32> to vector<1x16xf32>
    tpu.vector_store %arg8[%swap3A_29, %swap3A_30], %swap3A_33 {strides = array<i32>} : memref<80x16xf32, #tpu.memory_space<vmem>>, vector<1x16xf32>,
    %swap3A_34 = arith.constant 3 : i32
    %swap3A_35 = arith.index_cast %swap3A_34 : i32 to index
    %swap3A_36 = arith.constant 0 : index
    %swap3A_37 = tpu.vector_load %arg8[%swap3A_35, %swap3A_36] {strides = array<i32>} : memref<80x16xf32, #tpu.memory_space<vmem>>, vector<1x16xf32>,
    %swap3A_38 = vector.shape_cast %swap3A_37 : vector<1x16xf32> to vector<16xf32>
    %swap3A_39 = vector.shape_cast %broadcast_in_dim3A_16 : vector<16xf32> to vector<1x16xf32>
    tpu.vector_store %arg8[%swap3A_35, %swap3A_36], %swap3A_39 {strides = array<i32>} : memref<80x16xf32, #tpu.memory_space<vmem>>, vector<1x16xf32>,
    %swap3A_40 = arith.constant 4 : i32
    %swap3A_41 = arith.index_cast %swap3A_40 : i32 to index
    %swap3A_42 = arith.constant 0 : index
    %swap3A_43 = tpu.vector_load %arg8[%swap3A_41, %swap3A_42] {strides = array<i32>} : memref<80x16xf32, #tpu.memory_space<vmem>>, vector<1x16xf32>,
    %swap3A_44 = vector.shape_cast %swap3A_43 : vector<1x16xf32> to vector<16xf32>
    %swap3A_45 = vector.shape_cast %broadcast_in_dim3A_16 : vector<16xf32> to vector<1x16xf32>
    tpu.vector_store %arg8[%swap3A_41, %swap3A_42], %swap3A_45 {strides = array<i32>} : memref<80x16xf32, #tpu.memory_space<vmem>>, vector<1x16xf32>,
    %swap3A_46 = arith.constant 5 : i32
    %swap3A_47 = arith.index_cast %swap3A_46 : i32 to index
    %swap3A_48 = arith.constant 0 : index
    %swap3A_49 = tpu.vector_load %arg8[%swap3A_47, %swap3A_48] {strides = array<i32>} : memref<80x16xf32, #tpu.memory_space<vmem>>, vector<1x16xf32>,
    %swap3A_50 = vector.shape_cast %swap3A_49 : vector<1x16xf32> to vector<16xf32>
    %swap3A_51 = vector.shape_cast %broadcast_in_dim3A_16 : vector<16xf32> to vector<1x16xf32>
    tpu.vector_store %arg8[%swap3A_47, %swap3A_48], %swap3A_51 {strides = array<i32>} : memref<80x16xf32, #tpu.memory_space<vmem>>, vector<1x16xf32>,
    %swap3A_52 = arith.constant 6 : i32
    %swap3A_53 = arith.index_cast %swap3A_52 : i32 to index
    %swap3A_54 = arith.constant 0 : index
    %swap3A_55 = tpu.vector_load %arg8[%swap3A_53, %swap3A_54] {strides = array<i32>} : memref<80x16xf32, #tpu.memory_space<vmem>>, vector<1x16xf32>,
    %swap3A_56 = vector.shape_cast %swap3A_55 : vector<1x16xf32> to vector<16xf32>
    %swap3A_57 = vector.shape_cast %broadcast_in_dim3A_16 : vector<16xf32> to vector<1x16xf32>
    tpu.vector_store %arg8[%swap3A_53, %swap3A_54], %swap3A_57 {strides = array<i32>} : memref<80x16xf32, #tpu.memory_space<vmem>>, vector<1x16xf32>,
    %swap3A_58 = arith.constant 7 : i32
    %swap3A_59 = arith.index_cast %swap3A_58 : i32 to index
    %swap3A_60 = arith.constant 0 : index
    %swap3A_61 = tpu.vector_load %arg8[%swap3A_59, %swap3A_60] {strides = array<i32>} : memref<80x16xf32, #tpu.memory_space<vmem>>, vector<1x16xf32>,
    %swap3A_62 = vector.shape_cast %swap3A_61 : vector<1x16xf32> to vector<16xf32>
    %swap3A_63 = vector.shape_cast %broadcast_in_dim3A_16 : vector<16xf32> to vector<1x16xf32>
    tpu.vector_store %arg8[%swap3A_59, %swap3A_60], %swap3A_63 {strides = array<i32>} : memref<80x16xf32, #tpu.memory_space<vmem>>, vector<1x16xf32>,
    %swap3A_64 = arith.constant 8 : i32
    %swap3A_65 = arith.index_cast %swap3A_64 : i32 to index
    %swap3A_66 = arith.constant 0 : index
    %swap3A_67 = tpu.vector_load %arg8[%swap3A_65, %swap3A_66] {strides = array<i32>} : memref<80x16xf32, #tpu.memory_space<vmem>>, vector<1x16xf32>,
    %swap3A_68 = vector.shape_cast %swap3A_67 : vector<1x16xf32> to vector<16xf32>
    %swap3A_69 = vector.shape_cast %broadcast_in_dim3A_16 : vector<16xf32> to vector<1x16xf32>
    tpu.vector_store %arg8[%swap3A_65, %swap3A_66], %swap3A_69 {strides = array<i32>} : memref<80x16xf32, #tpu.memory_space<vmem>>, vector<1x16xf32>,
    %swap3A_70 = arith.constant 9 : i32
    %swap3A_71 = arith.index_cast %swap3A_70 : i32 to index
    %swap3A_72 = arith.constant 0 : index
    %swap3A_73 = tpu.vector_load %arg8[%swap3A_71, %swap3A_72] {strides = array<i32>} : memref<80x16xf32, #tpu.memory_space<vmem>>, vector<1x16xf32>,
    %swap3A_74 = vector.shape_cast %swap3A_73 : vector<1x16xf32> to vector<16xf32>
    %swap3A_75 = vector.shape_cast %broadcast_in_dim3A_16 : vector<16xf32> to vector<1x16xf32>
    tpu.vector_store %arg8[%swap3A_71, %swap3A_72], %swap3A_75 {strides = array<i32>} : memref<80x16xf32, #tpu.memory_space<vmem>>, vector<1x16xf32>,
    %swap3A_76 = arith.constant 10 : i32
    %swap3A_77 = arith.index_cast %swap3A_76 : i32 to index
    %swap3A_78 = arith.constant 0 : index
    %swap3A_79 = tpu.vector_load %arg8[%swap3A_77, %swap3A_78] {strides = array<i32>} : memref<80x16xf32, #tpu.memory_space<vmem>>, vector<1x16xf32>,
    %swap3A_80 = vector.shape_cast %swap3A_79 : vector<1x16xf32> to vector<16xf32>
    %swap3A_81 = vector.shape_cast %broadcast_in_dim3A_16 : vector<16xf32> to vector<1x16xf32>
    tpu.vector_store %arg8[%swap3A_77, %swap3A_78], %swap3A_81 {strides = array<i32>} : memref<80x16xf32, #tpu.memory_space<vmem>>, vector<1x16xf32>,
    %swap3A_82 = arith.constant 11 : i32
    %swap3A_83 = arith.index_cast %swap3A_82 : i32 to index
    %swap3A_84 = arith.constant 0 : index
    %swap3A_85 = tpu.vector_load %arg8[%swap3A_83, %swap3A_84] {strides = array<i32>} : memref<80x16xf32, #tpu.memory_space<vmem>>, vector<1x16xf32>,
    %swap3A_86 = vector.shape_cast %swap3A_85 : vector<1x16xf32> to vector<16xf32>
    %swap3A_87 = vector.shape_cast %broadcast_in_dim3A_16 : vector<16xf32> to vector<1x16xf32>
    tpu.vector_store %arg8[%swap3A_83, %swap3A_84], %swap3A_87 {strides = array<i32>} : memref<80x16xf32, #tpu.memory_space<vmem>>, vector<1x16xf32>,
    %swap3A_88 = arith.constant 12 : i32
    %swap3A_89 = arith.index_cast %swap3A_88 : i32 to index
    %swap3A_90 = arith.constant 0 : index
    %swap3A_91 = tpu.vector_load %arg8[%swap3A_89, %swap3A_90] {strides = array<i32>} : memref<80x16xf32, #tpu.memory_space<vmem>>, vector<1x16xf32>,
    %swap3A_92 = vector.shape_cast %swap3A_91 : vector<1x16xf32> to vector<16xf32>
    %swap3A_93 = vector.shape_cast %broadcast_in_dim3A_16 : vector<16xf32> to vector<1x16xf32>
    tpu.vector_store %arg8[%swap3A_89, %swap3A_90], %swap3A_93 {strides = array<i32>} : memref<80x16xf32, #tpu.memory_space<vmem>>, vector<1x16xf32>,
    %swap3A_94 = arith.constant 13 : i32
    %swap3A_95 = arith.index_cast %swap3A_94 : i32 to index
    %swap3A_96 = arith.constant 0 : index
    %swap3A_97 = tpu.vector_load %arg8[%swap3A_95, %swap3A_96] {strides = array<i32>} : memref<80x16xf32, #tpu.memory_space<vmem>>, vector<1x16xf32>,
    %swap3A_98 = vector.shape_cast %swap3A_97 : vector<1x16xf32> to vector<16xf32>
    %swap3A_99 = vector.shape_cast %broadcast_in_dim3A_16 : vector<16xf32> to vector<1x16xf32>
    tpu.vector_store %arg8[%swap3A_95, %swap3A_96], %swap3A_99 {strides = array<i32>} : memref<80x16xf32, #tpu.memory_space<vmem>>, vector<1x16xf32>,
    %swap3A_100 = arith.constant 14 : i32
    %swap3A_101 = arith.index_cast %swap3A_100 : i32 to index
    %swap3A_102 = arith.constant 0 : index
    %swap3A_103 = tpu.vector_load %arg8[%swap3A_101, %swap3A_102] {strides = array<i32>} : memref<80x16xf32, #tpu.memory_space<vmem>>, vector<1x16xf32>,
    %swap3A_104 = vector.shape_cast %swap3A_103 : vector<1x16xf32> to vector<16xf32>
    %swap3A_105 = vector.shape_cast %broadcast_in_dim3A_16 : vector<16xf32> to vector<1x16xf32>
    tpu.vector_store %arg8[%swap3A_101, %swap3A_102], %swap3A_105 {strides = array<i32>} : memref<80x16xf32, #tpu.memory_space<vmem>>, vector<1x16xf32>,
    %swap3A_106 = arith.constant 15 : i32
    %swap3A_107 = arith.index_cast %swap3A_106 : i32 to index
    %swap3A_108 = arith.constant 0 : index
    %swap3A_109 = tpu.vector_load %arg8[%swap3A_107, %swap3A_108] {strides = array<i32>} : memref<80x16xf32, #tpu.memory_space<vmem>>, vector<1x16xf32>,
    %swap3A_110 = vector.shape_cast %swap3A_109 : vector<1x16xf32> to vector<16xf32>
    %swap3A_111 = vector.shape_cast %broadcast_in_dim3A_16 : vector<16xf32> to vector<1x16xf32>
    tpu.vector_store %arg8[%swap3A_107, %swap3A_108], %swap3A_111 {strides = array<i32>} : memref<80x16xf32, #tpu.memory_space<vmem>>, vector<1x16xf32>,
    %swap3A_112 = arith.constant 16 : i32
    %swap3A_113 = arith.index_cast %swap3A_112 : i32 to index
    %swap3A_114 = arith.constant 0 : index
    %swap3A_115 = tpu.vector_load %arg8[%swap3A_113, %swap3A_114] {strides = array<i32>} : memref<80x16xf32, #tpu.memory_space<vmem>>, vector<1x16xf32>,
    %swap3A_116 = vector.shape_cast %swap3A_115 : vector<1x16xf32> to vector<16xf32>
    %swap3A_117 = vector.shape_cast %broadcast_in_dim3A_16 : vector<16xf32> to vector<1x16xf32>
    tpu.vector_store %arg8[%swap3A_113, %swap3A_114], %swap3A_117 {strides = array<i32>} : memref<80x16xf32, #tpu.memory_space<vmem>>, vector<1x16xf32>,
    %swap3A_118 = arith.constant 17 : i32
    %swap3A_119 = arith.index_cast %swap3A_118 : i32 to index
    %swap3A_120 = arith.constant 0 : index
    %swap3A_121 = tpu.vector_load %arg8[%swap3A_119, %swap3A_120] {strides = array<i32>} : memref<80x16xf32, #tpu.memory_space<vmem>>, vector<1x16xf32>,
    %swap3A_122 = vector.shape_cast %swap3A_121 : vector<1x16xf32> to vector<16xf32>
    %swap3A_123 = vector.shape_cast %broadcast_in_dim3A_16 : vector<16xf32> to vector<1x16xf32>
    tpu.vector_store %arg8[%swap3A_119, %swap3A_120], %swap3A_123 {strides = array<i32>} : memref<80x16xf32, #tpu.memory_space<vmem>>, vector<1x16xf32>,
    %swap3A_124 = arith.constant 18 : i32
    %swap3A_125 = arith.index_cast %swap3A_124 : i32 to index
    %swap3A_126 = arith.constant 0 : index
    %swap3A_127 = tpu.vector_load %arg8[%swap3A_125, %swap3A_126] {strides = array<i32>} : memref<80x16xf32, #tpu.memory_space<vmem>>, vector<1x16xf32>,
    %swap3A_128 = vector.shape_cast %swap3A_127 : vector<1x16xf32> to vector<16xf32>
    %swap3A_129 = vector.shape_cast %broadcast_in_dim3A_16 : vector<16xf32> to vector<1x16xf32>
    tpu.vector_store %arg8[%swap3A_125, %swap3A_126], %swap3A_129 {strides = array<i32>} : memref<80x16xf32, #tpu.memory_space<vmem>>, vector<1x16xf32>,
    %swap3A_130 = arith.constant 19 : i32
    %swap3A_131 = arith.index_cast %swap3A_130 : i32 to index
    %swap3A_132 = arith.constant 0 : index
    %swap3A_133 = tpu.vector_load %arg8[%swap3A_131, %swap3A_132] {strides = array<i32>} : memref<80x16xf32, #tpu.memory_space<vmem>>, vector<1x16xf32>,
    %swap3A_134 = vector.shape_cast %swap3A_133 : vector<1x16xf32> to vector<16xf32>
    %swap3A_135 = vector.shape_cast %broadcast_in_dim3A_16 : vector<16xf32> to vector<1x16xf32>
    tpu.vector_store %arg8[%swap3A_131, %swap3A_132], %swap3A_135 {strides = array<i32>} : memref<80x16xf32, #tpu.memory_space<vmem>>, vector<1x16xf32>,
    %swap3A_136 = arith.constant 20 : i32
    %swap3A_137 = arith.index_cast %swap3A_136 : i32 to index
    %swap3A_138 = arith.constant 0 : index
    %swap3A_139 = tpu.vector_load %arg8[%swap3A_137, %swap3A_138] {strides = array<i32>} : memref<80x16xf32, #tpu.memory_space<vmem>>, vector<1x16xf32>,
    %swap3A_140 = vector.shape_cast %swap3A_139 : vector<1x16xf32> to vector<16xf32>
    %swap3A_141 = vector.shape_cast %broadcast_in_dim3A_16 : vector<16xf32> to vector<1x16xf32>
    tpu.vector_store %arg8[%swap3A_137, %swap3A_138], %swap3A_141 {strides = array<i32>} : memref<80x16xf32, #tpu.memory_space<vmem>>, vector<1x16xf32>,
    %swap3A_142 = arith.constant 21 : i32
    %swap3A_143 = arith.index_cast %swap3A_142 : i32 to index
    %swap3A_144 = arith.constant 0 : index
    %swap3A_145 = tpu.vector_load %arg8[%swap3A_143, %swap3A_144] {strides = array<i32>} : memref<80x16xf32, #tpu.memory_space<vmem>>, vector<1x16xf32>,
    %swap3A_146 = vector.shape_cast %swap3A_145 : vector<1x16xf32> to vector<16xf32>
    %swap3A_147 = vector.shape_cast %broadcast_in_dim3A_16 : vector<16xf32> to vector<1x16xf32>
    tpu.vector_store %arg8[%swap3A_143, %swap3A_144], %swap3A_147 {strides = array<i32>} : memref<80x16xf32, #tpu.memory_space<vmem>>, vector<1x16xf32>,
    %swap3A_148 = arith.constant 22 : i32
    %swap3A_149 = arith.index_cast %swap3A_148 : i32 to index
    %swap3A_150 = arith.constant 0 : index
    %swap3A_151 = tpu.vector_load %arg8[%swap3A_149, %swap3A_150] {strides = array<i32>} : memref<80x16xf32, #tpu.memory_space<vmem>>, vector<1x16xf32>,
    %swap3A_152 = vector.shape_cast %swap3A_151 : vector<1x16xf32> to vector<16xf32>
    %swap3A_153 = vector.shape_cast %broadcast_in_dim3A_16 : vector<16xf32> to vector<1x16xf32>
    tpu.vector_store %arg8[%swap3A_149, %swap3A_150], %swap3A_153 {strides = array<i32>} : memref<80x16xf32, #tpu.memory_space<vmem>>, vector<1x16xf32>,
    %swap3A_154 = arith.constant 23 : i32
    %swap3A_155 = arith.index_cast %swap3A_154 : i32 to index
    %swap3A_156 = arith.constant 0 : index
    %swap3A_157 = tpu.vector_load %arg8[%swap3A_155, %swap3A_156] {strides = array<i32>} : memref<80x16xf32, #tpu.memory_space<vmem>>, vector<1x16xf32>,
    %swap3A_158 = vector.shape_cast %swap3A_157 : vector<1x16xf32> to vector<16xf32>
    %swap3A_159 = vector.shape_cast %broadcast_in_dim3A_16 : vector<16xf32> to vector<1x16xf32>
    tpu.vector_store %arg8[%swap3A_155, %swap3A_156], %swap3A_159 {strides = array<i32>} : memref<80x16xf32, #tpu.memory_space<vmem>>, vector<1x16xf32>,
    %swap3A_160 = arith.constant 24 : i32
    %swap3A_161 = arith.index_cast %swap3A_160 : i32 to index
    %swap3A_162 = arith.constant 0 : index
    %swap3A_163 = tpu.vector_load %arg8[%swap3A_161, %swap3A_162] {strides = array<i32>} : memref<80x16xf32, #tpu.memory_space<vmem>>, vector<1x16xf32>,
    %swap3A_164 = vector.shape_cast %swap3A_163 : vector<1x16xf32> to vector<16xf32>
    %swap3A_165 = vector.shape_cast %broadcast_in_dim3A_16 : vector<16xf32> to vector<1x16xf32>
    tpu.vector_store %arg8[%swap3A_161, %swap3A_162], %swap3A_165 {strides = array<i32>} : memref<80x16xf32, #tpu.memory_space<vmem>>, vector<1x16xf32>,
    %swap3A_166 = arith.constant 25 : i32
    %swap3A_167 = arith.index_cast %swap3A_166 : i32 to index
    %swap3A_168 = arith.constant 0 : index
    %swap3A_169 = tpu.vector_load %arg8[%swap3A_167, %swap3A_168] {strides = array<i32>} : memref<80x16xf32, #tpu.memory_space<vmem>>, vector<1x16xf32>,
    %swap3A_170 = vector.shape_cast %swap3A_169 : vector<1x16xf32> to vector<16xf32>
    %swap3A_171 = vector.shape_cast %broadcast_in_dim3A_16 : vector<16xf32> to vector<1x16xf32>
    tpu.vector_store %arg8[%swap3A_167, %swap3A_168], %swap3A_171 {strides = array<i32>} : memref<80x16xf32, #tpu.memory_space<vmem>>, vector<1x16xf32>,
    %swap3A_172 = arith.constant 26 : i32
    %swap3A_173 = arith.index_cast %swap3A_172 : i32 to index
    %swap3A_174 = arith.constant 0 : index
    %swap3A_175 = tpu.vector_load %arg8[%swap3A_173, %swap3A_174] {strides = array<i32>} : memref<80x16xf32, #tpu.memory_space<vmem>>, vector<1x16xf32>,
    %swap3A_176 = vector.shape_cast %swap3A_175 : vector<1x16xf32> to vector<16xf32>
    %swap3A_177 = vector.shape_cast %broadcast_in_dim3A_16 : vector<16xf32> to vector<1x16xf32>
    tpu.vector_store %arg8[%swap3A_173, %swap3A_174], %swap3A_177 {strides = array<i32>} : memref<80x16xf32, #tpu.memory_space<vmem>>, vector<1x16xf32>,
    %swap3A_178 = arith.constant 27 : i32
    %swap3A_179 = arith.index_cast %swap3A_178 : i32 to index
    %swap3A_180 = arith.constant 0 : index
    %swap3A_181 = tpu.vector_load %arg8[%swap3A_179, %swap3A_180] {strides = array<i32>} : memref<80x16xf32, #tpu.memory_space<vmem>>, vector<1x16xf32>,
    %swap3A_182 = vector.shape_cast %swap3A_181 : vector<1x16xf32> to vector<16xf32>
    %swap3A_183 = vector.shape_cast %broadcast_in_dim3A_16 : vector<16xf32> to vector<1x16xf32>
    tpu.vector_store %arg8[%swap3A_179, %swap3A_180], %swap3A_183 {strides = array<i32>} : memref<80x16xf32, #tpu.memory_space<vmem>>, vector<1x16xf32>,
    %swap3A_184 = arith.constant 28 : i32
    %swap3A_185 = arith.index_cast %swap3A_184 : i32 to index
    %swap3A_186 = arith.constant 0 : index
    %swap3A_187 = tpu.vector_load %arg8[%swap3A_185, %swap3A_186] {strides = array<i32>} : memref<80x16xf32, #tpu.memory_space<vmem>>, vector<1x16xf32>,
    %swap3A_188 = vector.shape_cast %swap3A_187 : vector<1x16xf32> to vector<16xf32>
    %swap3A_189 = vector.shape_cast %broadcast_in_dim3A_16 : vector<16xf32> to vector<1x16xf32>
    tpu.vector_store %arg8[%swap3A_185, %swap3A_186], %swap3A_189 {strides = array<i32>} : memref<80x16xf32, #tpu.memory_space<vmem>>, vector<1x16xf32>,
    %swap3A_190 = arith.constant 29 : i32
    %swap3A_191 = arith.index_cast %swap3A_190 : i32 to index
    %swap3A_192 = arith.constant 0 : index
    %swap3A_193 = tpu.vector_load %arg8[%swap3A_191, %swap3A_192] {strides = array<i32>} : memref<80x16xf32, #tpu.memory_space<vmem>>, vector<1x16xf32>,
    %swap3A_194 = vector.shape_cast %swap3A_193 : vector<1x16xf32> to vector<16xf32>
    %swap3A_195 = vector.shape_cast %broadcast_in_dim3A_16 : vector<16xf32> to vector<1x16xf32>
    tpu.vector_store %arg8[%swap3A_191, %swap3A_192], %swap3A_195 {strides = array<i32>} : memref<80x16xf32, #tpu.memory_space<vmem>>, vector<1x16xf32>,
    %swap3A_196 = arith.constant 30 : i32
    %swap3A_197 = arith.index_cast %swap3A_196 : i32 to index
    %swap3A_198 = arith.constant 0 : index
    %swap3A_199 = tpu.vector_load %arg8[%swap3A_197, %swap3A_198] {strides = array<i32>} : memref<80x16xf32, #tpu.memory_space<vmem>>, vector<1x16xf32>,
    %swap3A_200 = vector.shape_cast %swap3A_199 : vector<1x16xf32> to vector<16xf32>
    %swap3A_201 = vector.shape_cast %broadcast_in_dim3A_16 : vector<16xf32> to vector<1x16xf32>
    tpu.vector_store %arg8[%swap3A_197, %swap3A_198], %swap3A_201 {strides = array<i32>} : memref<80x16xf32, #tpu.memory_space<vmem>>, vector<1x16xf32>,
    %swap3A_202 = arith.constant 31 : i32
    %swap3A_203 = arith.index_cast %swap3A_202 : i32 to index
    %swap3A_204 = arith.constant 0 : index
    %swap3A_205 = tpu.vector_load %arg8[%swap3A_203, %swap3A_204] {strides = array<i32>} : memref<80x16xf32, #tpu.memory_space<vmem>>, vector<1x16xf32>,
    %swap3A_206 = vector.shape_cast %swap3A_205 : vector<1x16xf32> to vector<16xf32>
    %swap3A_207 = vector.shape_cast %broadcast_in_dim3A_16 : vector<16xf32> to vector<1x16xf32>
    tpu.vector_store %arg8[%swap3A_203, %swap3A_204], %swap3A_207 {strides = array<i32>} : memref<80x16xf32, #tpu.memory_space<vmem>>, vector<1x16xf32>,
    %swap3A_208 = arith.constant 32 : i32
    %swap3A_209 = arith.index_cast %swap3A_208 : i32 to index
    %swap3A_210 = arith.constant 0 : index
    %swap3A_211 = tpu.vector_load %arg8[%swap3A_209, %swap3A_210] {strides = array<i32>} : memref<80x16xf32, #tpu.memory_space<vmem>>, vector<1x16xf32>,
    %swap3A_212 = vector.shape_cast %swap3A_211 : vector<1x16xf32> to vector<16xf32>
    %swap3A_213 = vector.shape_cast %broadcast_in_dim3A_16 : vector<16xf32> to vector<1x16xf32>
    tpu.vector_store %arg8[%swap3A_209, %swap3A_210], %swap3A_213 {strides = array<i32>} : memref<80x16xf32, #tpu.memory_space<vmem>>, vector<1x16xf32>,
    %swap3A_214 = arith.constant 33 : i32
    %swap3A_215 = arith.index_cast %swap3A_214 : i32 to index
    %swap3A_216 = arith.constant 0 : index
    %swap3A_217 = tpu.vector_load %arg8[%swap3A_215, %swap3A_216] {strides = array<i32>} : memref<80x16xf32, #tpu.memory_space<vmem>>, vector<1x16xf32>,
    %swap3A_218 = vector.shape_cast %swap3A_217 : vector<1x16xf32> to vector<16xf32>
    %swap3A_219 = vector.shape_cast %broadcast_in_dim3A_16 : vector<16xf32> to vector<1x16xf32>
    tpu.vector_store %arg8[%swap3A_215, %swap3A_216], %swap3A_219 {strides = array<i32>} : memref<80x16xf32, #tpu.memory_space<vmem>>, vector<1x16xf32>,
    %swap3A_220 = arith.constant 34 : i32
    %swap3A_221 = arith.index_cast %swap3A_220 : i32 to index
    %swap3A_222 = arith.constant 0 : index
    %swap3A_223 = tpu.vector_load %arg8[%swap3A_221, %swap3A_222] {strides = array<i32>} : memref<80x16xf32, #tpu.memory_space<vmem>>, vector<1x16xf32>,
    %swap3A_224 = vector.shape_cast %swap3A_223 : vector<1x16xf32> to vector<16xf32>
    %swap3A_225 = vector.shape_cast %broadcast_in_dim3A_16 : vector<16xf32> to vector<1x16xf32>
    tpu.vector_store %arg8[%swap3A_221, %swap3A_222], %swap3A_225 {strides = array<i32>} : memref<80x16xf32, #tpu.memory_space<vmem>>, vector<1x16xf32>,
    %swap3A_226 = arith.constant 35 : i32
    %swap3A_227 = arith.index_cast %swap3A_226 : i32 to index
    %swap3A_228 = arith.constant 0 : index
    %swap3A_229 = tpu.vector_load %arg8[%swap3A_227, %swap3A_228] {strides = array<i32>} : memref<80x16xf32, #tpu.memory_space<vmem>>, vector<1x16xf32>,
    %swap3A_230 = vector.shape_cast %swap3A_229 : vector<1x16xf32> to vector<16xf32>
    %swap3A_231 = vector.shape_cast %broadcast_in_dim3A_16 : vector<16xf32> to vector<1x16xf32>
    tpu.vector_store %arg8[%swap3A_227, %swap3A_228], %swap3A_231 {strides = array<i32>} : memref<80x16xf32, #tpu.memory_space<vmem>>, vector<1x16xf32>,
    %swap3A_232 = arith.constant 36 : i32
    %swap3A_233 = arith.index_cast %swap3A_232 : i32 to index
    %swap3A_234 = arith.constant 0 : index
    %swap3A_235 = tpu.vector_load %arg8[%swap3A_233, %swap3A_234] {strides = array<i32>} : memref<80x16xf32, #tpu.memory_space<vmem>>, vector<1x16xf32>,
    %swap3A_236 = vector.shape_cast %swap3A_235 : vector<1x16xf32> to vector<16xf32>
    %swap3A_237 = vector.shape_cast %broadcast_in_dim3A_16 : vector<16xf32> to vector<1x16xf32>
    tpu.vector_store %arg8[%swap3A_233, %swap3A_234], %swap3A_237 {strides = array<i32>} : memref<80x16xf32, #tpu.memory_space<vmem>>, vector<1x16xf32>,
    %swap3A_238 = arith.constant 37 : i32
    %swap3A_239 = arith.index_cast %swap3A_238 : i32 to index
    %swap3A_240 = arith.constant 0 : index
    %swap3A_241 = tpu.vector_load %arg8[%swap3A_239, %swap3A_240] {strides = array<i32>} : memref<80x16xf32, #tpu.memory_space<vmem>>, vector<1x16xf32>,
    %swap3A_242 = vector.shape_cast %swap3A_241 : vector<1x16xf32> to vector<16xf32>
    %swap3A_243 = vector.shape_cast %broadcast_in_dim3A_16 : vector<16xf32> to vector<1x16xf32>
    tpu.vector_store %arg8[%swap3A_239, %swap3A_240], %swap3A_243 {strides = array<i32>} : memref<80x16xf32, #tpu.memory_space<vmem>>, vector<1x16xf32>,
    %swap3A_244 = arith.constant 38 : i32
    %swap3A_245 = arith.index_cast %swap3A_244 : i32 to index
    %swap3A_246 = arith.constant 0 : index
    %swap3A_247 = tpu.vector_load %arg8[%swap3A_245, %swap3A_246] {strides = array<i32>} : memref<80x16xf32, #tpu.memory_space<vmem>>, vector<1x16xf32>,
    %swap3A_248 = vector.shape_cast %swap3A_247 : vector<1x16xf32> to vector<16xf32>
    %swap3A_249 = vector.shape_cast %broadcast_in_dim3A_16 : vector<16xf32> to vector<1x16xf32>
    tpu.vector_store %arg8[%swap3A_245, %swap3A_246], %swap3A_249 {strides = array<i32>} : memref<80x16xf32, #tpu.memory_space<vmem>>, vector<1x16xf32>,
    %swap3A_250 = arith.constant 39 : i32
    %swap3A_251 = arith.index_cast %swap3A_250 : i32 to index
    %swap3A_252 = arith.constant 0 : index
    %swap3A_253 = tpu.vector_load %arg8[%swap3A_251, %swap3A_252] {strides = array<i32>} : memref<80x16xf32, #tpu.memory_space<vmem>>, vector<1x16xf32>,
    %swap3A_254 = vector.shape_cast %swap3A_253 : vector<1x16xf32> to vector<16xf32>
    %swap3A_255 = vector.shape_cast %broadcast_in_dim3A_16 : vector<16xf32> to vector<1x16xf32>
    tpu.vector_store %arg8[%swap3A_251, %swap3A_252], %swap3A_255 {strides = array<i32>} : memref<80x16xf32, #tpu.memory_space<vmem>>, vector<1x16xf32>,
    %swap3A_256 = arith.constant 40 : i32
    %swap3A_257 = arith.index_cast %swap3A_256 : i32 to index
    %swap3A_258 = arith.constant 0 : index
    %swap3A_259 = tpu.vector_load %arg8[%swap3A_257, %swap3A_258] {strides = array<i32>} : memref<80x16xf32, #tpu.memory_space<vmem>>, vector<1x16xf32>,
    %swap3A_260 = vector.shape_cast %swap3A_259 : vector<1x16xf32> to vector<16xf32>
    %swap3A_261 = vector.shape_cast %broadcast_in_dim3A_16 : vector<16xf32> to vector<1x16xf32>
    tpu.vector_store %arg8[%swap3A_257, %swap3A_258], %swap3A_261 {strides = array<i32>} : memref<80x16xf32, #tpu.memory_space<vmem>>, vector<1x16xf32>,
    %swap3A_262 = arith.constant 41 : i32
    %swap3A_263 = arith.index_cast %swap3A_262 : i32 to index
    %swap3A_264 = arith.constant 0 : index
    %swap3A_265 = tpu.vector_load %arg8[%swap3A_263, %swap3A_264] {strides = array<i32>} : memref<80x16xf32, #tpu.memory_space<vmem>>, vector<1x16xf32>,
    %swap3A_266 = vector.shape_cast %swap3A_265 : vector<1x16xf32> to vector<16xf32>
    %swap3A_267 = vector.shape_cast %broadcast_in_dim3A_16 : vector<16xf32> to vector<1x16xf32>
    tpu.vector_store %arg8[%swap3A_263, %swap3A_264], %swap3A_267 {strides = array<i32>} : memref<80x16xf32, #tpu.memory_space<vmem>>, vector<1x16xf32>,
    %swap3A_268 = arith.constant 42 : i32
    %swap3A_269 = arith.index_cast %swap3A_268 : i32 to index
    %swap3A_270 = arith.constant 0 : index
    %swap3A_271 = tpu.vector_load %arg8[%swap3A_269, %swap3A_270] {strides = array<i32>} : memref<80x16xf32, #tpu.memory_space<vmem>>, vector<1x16xf32>,
    %swap3A_272 = vector.shape_cast %swap3A_271 : vector<1x16xf32> to vector<16xf32>
    %swap3A_273 = vector.shape_cast %broadcast_in_dim3A_16 : vector<16xf32> to vector<1x16xf32>
    tpu.vector_store %arg8[%swap3A_269, %swap3A_270], %swap3A_273 {strides = array<i32>} : memref<80x16xf32, #tpu.memory_space<vmem>>, vector<1x16xf32>,
    %swap3A_274 = arith.constant 43 : i32
    %swap3A_275 = arith.index_cast %swap3A_274 : i32 to index
    %swap3A_276 = arith.constant 0 : index
    %swap3A_277 = tpu.vector_load %arg8[%swap3A_275, %swap3A_276] {strides = array<i32>} : memref<80x16xf32, #tpu.memory_space<vmem>>, vector<1x16xf32>,
    %swap3A_278 = vector.shape_cast %swap3A_277 : vector<1x16xf32> to vector<16xf32>
    %swap3A_279 = vector.shape_cast %broadcast_in_dim3A_16 : vector<16xf32> to vector<1x16xf32>
    tpu.vector_store %arg8[%swap3A_275, %swap3A_276], %swap3A_279 {strides = array<i32>} : memref<80x16xf32, #tpu.memory_space<vmem>>, vector<1x16xf32>,
    %swap3A_280 = arith.constant 44 : i32
    %swap3A_281 = arith.index_cast %swap3A_280 : i32 to index
    %swap3A_282 = arith.constant 0 : index
    %swap3A_283 = tpu.vector_load %arg8[%swap3A_281, %swap3A_282] {strides = array<i32>} : memref<80x16xf32, #tpu.memory_space<vmem>>, vector<1x16xf32>,
    %swap3A_284 = vector.shape_cast %swap3A_283 : vector<1x16xf32> to vector<16xf32>
    %swap3A_285 = vector.shape_cast %broadcast_in_dim3A_16 : vector<16xf32> to vector<1x16xf32>
    tpu.vector_store %arg8[%swap3A_281, %swap3A_282], %swap3A_285 {strides = array<i32>} : memref<80x16xf32, #tpu.memory_space<vmem>>, vector<1x16xf32>,
    %swap3A_286 = arith.constant 45 : i32
    %swap3A_287 = arith.index_cast %swap3A_286 : i32 to index
    %swap3A_288 = arith.constant 0 : index
    %swap3A_289 = tpu.vector_load %arg8[%swap3A_287, %swap3A_288] {strides = array<i32>} : memref<80x16xf32, #tpu.memory_space<vmem>>, vector<1x16xf32>,
    %swap3A_290 = vector.shape_cast %swap3A_289 : vector<1x16xf32> to vector<16xf32>
    %swap3A_291 = vector.shape_cast %broadcast_in_dim3A_16 : vector<16xf32> to vector<1x16xf32>
    tpu.vector_store %arg8[%swap3A_287, %swap3A_288], %swap3A_291 {strides = array<i32>} : memref<80x16xf32, #tpu.memory_space<vmem>>, vector<1x16xf32>,
    %swap3A_292 = arith.constant 46 : i32
    %swap3A_293 = arith.index_cast %swap3A_292 : i32 to index
    %swap3A_294 = arith.constant 0 : index
    %swap3A_295 = tpu.vector_load %arg8[%swap3A_293, %swap3A_294] {strides = array<i32>} : memref<80x16xf32, #tpu.memory_space<vmem>>, vector<1x16xf32>,
    %swap3A_296 = vector.shape_cast %swap3A_295 : vector<1x16xf32> to vector<16xf32>
    %swap3A_297 = vector.shape_cast %broadcast_in_dim3A_16 : vector<16xf32> to vector<1x16xf32>
    tpu.vector_store %arg8[%swap3A_293, %swap3A_294], %swap3A_297 {strides = array<i32>} : memref<80x16xf32, #tpu.memory_space<vmem>>, vector<1x16xf32>,
    %swap3A_298 = arith.constant 47 : i32
    %swap3A_299 = arith.index_cast %swap3A_298 : i32 to index
    %swap3A_300 = arith.constant 0 : index
    %swap3A_301 = tpu.vector_load %arg8[%swap3A_299, %swap3A_300] {strides = array<i32>} : memref<80x16xf32, #tpu.memory_space<vmem>>, vector<1x16xf32>,
    %swap3A_302 = vector.shape_cast %swap3A_301 : vector<1x16xf32> to vector<16xf32>
    %swap3A_303 = vector.shape_cast %broadcast_in_dim3A_16 : vector<16xf32> to vector<1x16xf32>
    tpu.vector_store %arg8[%swap3A_299, %swap3A_300], %swap3A_303 {strides = array<i32>} : memref<80x16xf32, #tpu.memory_space<vmem>>, vector<1x16xf32>,
    %swap3A_304 = arith.constant 48 : i32
    %swap3A_305 = arith.index_cast %swap3A_304 : i32 to index
    %swap3A_306 = arith.constant 0 : index
    %swap3A_307 = tpu.vector_load %arg8[%swap3A_305, %swap3A_306] {strides = array<i32>} : memref<80x16xf32, #tpu.memory_space<vmem>>, vector<1x16xf32>,
    %swap3A_308 = vector.shape_cast %swap3A_307 : vector<1x16xf32> to vector<16xf32>
    %swap3A_309 = vector.shape_cast %broadcast_in_dim3A_16 : vector<16xf32> to vector<1x16xf32>
    tpu.vector_store %arg8[%swap3A_305, %swap3A_306], %swap3A_309 {strides = array<i32>} : memref<80x16xf32, #tpu.memory_space<vmem>>, vector<1x16xf32>,
    %swap3A_310 = arith.constant 49 : i32
    %swap3A_311 = arith.index_cast %swap3A_310 : i32 to index
    %swap3A_312 = arith.constant 0 : index
    %swap3A_313 = tpu.vector_load %arg8[%swap3A_311, %swap3A_312] {strides = array<i32>} : memref<80x16xf32, #tpu.memory_space<vmem>>, vector<1x16xf32>,
    %swap3A_314 = vector.shape_cast %swap3A_313 : vector<1x16xf32> to vector<16xf32>
    %swap3A_315 = vector.shape_cast %broadcast_in_dim3A_16 : vector<16xf32> to vector<1x16xf32>
    tpu.vector_store %arg8[%swap3A_311, %swap3A_312], %swap3A_315 {strides = array<i32>} : memref<80x16xf32, #tpu.memory_space<vmem>>, vector<1x16xf32>,
    %swap3A_316 = arith.constant 50 : i32
    %swap3A_317 = arith.index_cast %swap3A_316 : i32 to index
    %swap3A_318 = arith.constant 0 : index
    %swap3A_319 = tpu.vector_load %arg8[%swap3A_317, %swap3A_318] {strides = array<i32>} : memref<80x16xf32, #tpu.memory_space<vmem>>, vector<1x16xf32>,
    %swap3A_320 = vector.shape_cast %swap3A_319 : vector<1x16xf32> to vector<16xf32>
    %swap3A_321 = vector.shape_cast %broadcast_in_dim3A_16 : vector<16xf32> to vector<1x16xf32>
    tpu.vector_store %arg8[%swap3A_317, %swap3A_318], %swap3A_321 {strides = array<i32>} : memref<80x16xf32, #tpu.memory_space<vmem>>, vector<1x16xf32>,
    %swap3A_322 = arith.constant 51 : i32
    %swap3A_323 = arith.index_cast %swap3A_322 : i32 to index
    %swap3A_324 = arith.constant 0 : index
    %swap3A_325 = tpu.vector_load %arg8[%swap3A_323, %swap3A_324] {strides = array<i32>} : memref<80x16xf32, #tpu.memory_space<vmem>>, vector<1x16xf32>,
    %swap3A_326 = vector.shape_cast %swap3A_325 : vector<1x16xf32> to vector<16xf32>
    %swap3A_327 = vector.shape_cast %broadcast_in_dim3A_16 : vector<16xf32> to vector<1x16xf32>
    tpu.vector_store %arg8[%swap3A_323, %swap3A_324], %swap3A_327 {strides = array<i32>} : memref<80x16xf32, #tpu.memory_space<vmem>>, vector<1x16xf32>,
    %swap3A_328 = arith.constant 52 : i32
    %swap3A_329 = arith.index_cast %swap3A_328 : i32 to index
    %swap3A_330 = arith.constant 0 : index
    %swap3A_331 = tpu.vector_load %arg8[%swap3A_329, %swap3A_330] {strides = array<i32>} : memref<80x16xf32, #tpu.memory_space<vmem>>, vector<1x16xf32>,
    %swap3A_332 = vector.shape_cast %swap3A_331 : vector<1x16xf32> to vector<16xf32>
    %swap3A_333 = vector.shape_cast %broadcast_in_dim3A_16 : vector<16xf32> to vector<1x16xf32>
    tpu.vector_store %arg8[%swap3A_329, %swap3A_330], %swap3A_333 {strides = array<i32>} : memref<80x16xf32, #tpu.memory_space<vmem>>, vector<1x16xf32>,
    %swap3A_334 = arith.constant 53 : i32
    %swap3A_335 = arith.index_cast %swap3A_334 : i32 to index
    %swap3A_336 = arith.constant 0 : index
    %swap3A_337 = tpu.vector_load %arg8[%swap3A_335, %swap3A_336] {strides = array<i32>} : memref<80x16xf32, #tpu.memory_space<vmem>>, vector<1x16xf32>,
    %swap3A_338 = vector.shape_cast %swap3A_337 : vector<1x16xf32> to vector<16xf32>
    %swap3A_339 = vector.shape_cast %broadcast_in_dim3A_16 : vector<16xf32> to vector<1x16xf32>
    tpu.vector_store %arg8[%swap3A_335, %swap3A_336], %swap3A_339 {strides = array<i32>} : memref<80x16xf32, #tpu.memory_space<vmem>>, vector<1x16xf32>,
    %swap3A_340 = arith.constant 54 : i32
    %swap3A_341 = arith.index_cast %swap3A_340 : i32 to index
    %swap3A_342 = arith.constant 0 : index
    %swap3A_343 = tpu.vector_load %arg8[%swap3A_341, %swap3A_342] {strides = array<i32>} : memref<80x16xf32, #tpu.memory_space<vmem>>, vector<1x16xf32>,
    %swap3A_344 = vector.shape_cast %swap3A_343 : vector<1x16xf32> to vector<16xf32>
    %swap3A_345 = vector.shape_cast %broadcast_in_dim3A_16 : vector<16xf32> to vector<1x16xf32>
    tpu.vector_store %arg8[%swap3A_341, %swap3A_342], %swap3A_345 {strides = array<i32>} : memref<80x16xf32, #tpu.memory_space<vmem>>, vector<1x16xf32>,
    %swap3A_346 = arith.constant 55 : i32
    %swap3A_347 = arith.index_cast %swap3A_346 : i32 to index
    %swap3A_348 = arith.constant 0 : index
    %swap3A_349 = tpu.vector_load %arg8[%swap3A_347, %swap3A_348] {strides = array<i32>} : memref<80x16xf32, #tpu.memory_space<vmem>>, vector<1x16xf32>,
    %swap3A_350 = vector.shape_cast %swap3A_349 : vector<1x16xf32> to vector<16xf32>
    %swap3A_351 = vector.shape_cast %broadcast_in_dim3A_16 : vector<16xf32> to vector<1x16xf32>
    tpu.vector_store %arg8[%swap3A_347, %swap3A_348], %swap3A_351 {strides = array<i32>} : memref<80x16xf32, #tpu.memory_space<vmem>>, vector<1x16xf32>,
    %swap3A_352 = arith.constant 56 : i32
    %swap3A_353 = arith.index_cast %swap3A_352 : i32 to index
    %swap3A_354 = arith.constant 0 : index
    %swap3A_355 = tpu.vector_load %arg8[%swap3A_353, %swap3A_354] {strides = array<i32>} : memref<80x16xf32, #tpu.memory_space<vmem>>, vector<1x16xf32>,
    %swap3A_356 = vector.shape_cast %swap3A_355 : vector<1x16xf32> to vector<16xf32>
    %swap3A_357 = vector.shape_cast %broadcast_in_dim3A_16 : vector<16xf32> to vector<1x16xf32>
    tpu.vector_store %arg8[%swap3A_353, %swap3A_354], %swap3A_357 {strides = array<i32>} : memref<80x16xf32, #tpu.memory_space<vmem>>, vector<1x16xf32>,
    %swap3A_358 = arith.constant 57 : i32
    %swap3A_359 = arith.index_cast %swap3A_358 : i32 to index
    %swap3A_360 = arith.constant 0 : index
    %swap3A_361 = tpu.vector_load %arg8[%swap3A_359, %swap3A_360] {strides = array<i32>} : memref<80x16xf32, #tpu.memory_space<vmem>>, vector<1x16xf32>,
    %swap3A_362 = vector.shape_cast %swap3A_361 : vector<1x16xf32> to vector<16xf32>
    %swap3A_363 = vector.shape_cast %broadcast_in_dim3A_16 : vector<16xf32> to vector<1x16xf32>
    tpu.vector_store %arg8[%swap3A_359, %swap3A_360], %swap3A_363 {strides = array<i32>} : memref<80x16xf32, #tpu.memory_space<vmem>>, vector<1x16xf32>,
    %swap3A_364 = arith.constant 58 : i32
    %swap3A_365 = arith.index_cast %swap3A_364 : i32 to index
    %swap3A_366 = arith.constant 0 : index
    %swap3A_367 = tpu.vector_load %arg8[%swap3A_365, %swap3A_366] {strides = array<i32>} : memref<80x16xf32, #tpu.memory_space<vmem>>, vector<1x16xf32>,
    %swap3A_368 = vector.shape_cast %swap3A_367 : vector<1x16xf32> to vector<16xf32>
    %swap3A_369 = vector.shape_cast %broadcast_in_dim3A_16 : vector<16xf32> to vector<1x16xf32>
    tpu.vector_store %arg8[%swap3A_365, %swap3A_366], %swap3A_369 {strides = array<i32>} : memref<80x16xf32, #tpu.memory_space<vmem>>, vector<1x16xf32>,
    %swap3A_370 = arith.constant 59 : i32
    %swap3A_371 = arith.index_cast %swap3A_370 : i32 to index
    %swap3A_372 = arith.constant 0 : index
    %swap3A_373 = tpu.vector_load %arg8[%swap3A_371, %swap3A_372] {strides = array<i32>} : memref<80x16xf32, #tpu.memory_space<vmem>>, vector<1x16xf32>,
    %swap3A_374 = vector.shape_cast %swap3A_373 : vector<1x16xf32> to vector<16xf32>
    %swap3A_375 = vector.shape_cast %broadcast_in_dim3A_16 : vector<16xf32> to vector<1x16xf32>
    tpu.vector_store %arg8[%swap3A_371, %swap3A_372], %swap3A_375 {strides = array<i32>} : memref<80x16xf32, #tpu.memory_space<vmem>>, vector<1x16xf32>,
    %swap3A_376 = arith.constant 60 : i32
    %swap3A_377 = arith.index_cast %swap3A_376 : i32 to index
    %swap3A_378 = arith.constant 0 : index
    %swap3A_379 = tpu.vector_load %arg8[%swap3A_377, %swap3A_378] {strides = array<i32>} : memref<80x16xf32, #tpu.memory_space<vmem>>, vector<1x16xf32>,
    %swap3A_380 = vector.shape_cast %swap3A_379 : vector<1x16xf32> to vector<16xf32>
    %swap3A_381 = vector.shape_cast %broadcast_in_dim3A_16 : vector<16xf32> to vector<1x16xf32>
    tpu.vector_store %arg8[%swap3A_377, %swap3A_378], %swap3A_381 {strides = array<i32>} : memref<80x16xf32, #tpu.memory_space<vmem>>, vector<1x16xf32>,
    %swap3A_382 = arith.constant 61 : i32
    %swap3A_383 = arith.index_cast %swap3A_382 : i32 to index
    %swap3A_384 = arith.constant 0 : index
    %swap3A_385 = tpu.vector_load %arg8[%swap3A_383, %swap3A_384] {strides = array<i32>} : memref<80x16xf32, #tpu.memory_space<vmem>>, vector<1x16xf32>,
    %swap3A_386 = vector.shape_cast %swap3A_385 : vector<1x16xf32> to vector<16xf32>
    %swap3A_387 = vector.shape_cast %broadcast_in_dim3A_16 : vector<16xf32> to vector<1x16xf32>
    tpu.vector_store %arg8[%swap3A_383, %swap3A_384], %swap3A_387 {strides = array<i32>} : memref<80x16xf32, #tpu.memory_space<vmem>>, vector<1x16xf32>,
    %swap3A_388 = arith.constant 62 : i32
    %swap3A_389 = arith.index_cast %swap3A_388 : i32 to index
    %swap3A_390 = arith.constant 0 : index
    %swap3A_391 = tpu.vector_load %arg8[%swap3A_389, %swap3A_390] {strides = array<i32>} : memref<80x16xf32, #tpu.memory_space<vmem>>, vector<1x16xf32>,
    %swap3A_392 = vector.shape_cast %swap3A_391 : vector<1x16xf32> to vector<16xf32>
    %swap3A_393 = vector.shape_cast %broadcast_in_dim3A_16 : vector<16xf32> to vector<1x16xf32>
    tpu.vector_store %arg8[%swap3A_389, %swap3A_390], %swap3A_393 {strides = array<i32>} : memref<80x16xf32, #tpu.memory_space<vmem>>, vector<1x16xf32>,
    %swap3A_394 = arith.constant 63 : i32
    %swap3A_395 = arith.index_cast %swap3A_394 : i32 to index
    %swap3A_396 = arith.constant 0 : index
    %swap3A_397 = tpu.vector_load %arg8[%swap3A_395, %swap3A_396] {strides = array<i32>} : memref<80x16xf32, #tpu.memory_space<vmem>>, vector<1x16xf32>,
    %swap3A_398 = vector.shape_cast %swap3A_397 : vector<1x16xf32> to vector<16xf32>
    %swap3A_399 = vector.shape_cast %broadcast_in_dim3A_16 : vector<16xf32> to vector<1x16xf32>
    tpu.vector_store %arg8[%swap3A_395, %swap3A_396], %swap3A_399 {strides = array<i32>} : memref<80x16xf32, #tpu.memory_space<vmem>>, vector<1x16xf32>,
    %swap3A_400 = arith.constant 64 : i32
    %swap3A_401 = arith.index_cast %swap3A_400 : i32 to index
    %swap3A_402 = arith.constant 0 : index
    %swap3A_403 = tpu.vector_load %arg8[%swap3A_401, %swap3A_402] {strides = array<i32>} : memref<80x16xf32, #tpu.memory_space<vmem>>, vector<1x16xf32>,
    %swap3A_404 = vector.shape_cast %swap3A_403 : vector<1x16xf32> to vector<16xf32>
    %swap3A_405 = vector.shape_cast %broadcast_in_dim3A_16 : vector<16xf32> to vector<1x16xf32>
    tpu.vector_store %arg8[%swap3A_401, %swap3A_402], %swap3A_405 {strides = array<i32>} : memref<80x16xf32, #tpu.memory_space<vmem>>, vector<1x16xf32>,
    %swap3A_406 = arith.constant 65 : i32
    %swap3A_407 = arith.index_cast %swap3A_406 : i32 to index
    %swap3A_408 = arith.constant 0 : index
    %swap3A_409 = tpu.vector_load %arg8[%swap3A_407, %swap3A_408] {strides = array<i32>} : memref<80x16xf32, #tpu.memory_space<vmem>>, vector<1x16xf32>,
    %swap3A_410 = vector.shape_cast %swap3A_409 : vector<1x16xf32> to vector<16xf32>
    %swap3A_411 = vector.shape_cast %broadcast_in_dim3A_16 : vector<16xf32> to vector<1x16xf32>
    tpu.vector_store %arg8[%swap3A_407, %swap3A_408], %swap3A_411 {strides = array<i32>} : memref<80x16xf32, #tpu.memory_space<vmem>>, vector<1x16xf32>,
    %swap3A_412 = arith.constant 66 : i32
    %swap3A_413 = arith.index_cast %swap3A_412 : i32 to index
    %swap3A_414 = arith.constant 0 : index
    %swap3A_415 = tpu.vector_load %arg8[%swap3A_413, %swap3A_414] {strides = array<i32>} : memref<80x16xf32, #tpu.memory_space<vmem>>, vector<1x16xf32>,
    %swap3A_416 = vector.shape_cast %swap3A_415 : vector<1x16xf32> to vector<16xf32>
    %swap3A_417 = vector.shape_cast %broadcast_in_dim3A_16 : vector<16xf32> to vector<1x16xf32>
    tpu.vector_store %arg8[%swap3A_413, %swap3A_414], %swap3A_417 {strides = array<i32>} : memref<80x16xf32, #tpu.memory_space<vmem>>, vector<1x16xf32>,
    %swap3A_418 = arith.constant 67 : i32
    %swap3A_419 = arith.index_cast %swap3A_418 : i32 to index
    %swap3A_420 = arith.constant 0 : index
    %swap3A_421 = tpu.vector_load %arg8[%swap3A_419, %swap3A_420] {strides = array<i32>} : memref<80x16xf32, #tpu.memory_space<vmem>>, vector<1x16xf32>,
    %swap3A_422 = vector.shape_cast %swap3A_421 : vector<1x16xf32> to vector<16xf32>
    %swap3A_423 = vector.shape_cast %broadcast_in_dim3A_16 : vector<16xf32> to vector<1x16xf32>
    tpu.vector_store %arg8[%swap3A_419, %swap3A_420], %swap3A_423 {strides = array<i32>} : memref<80x16xf32, #tpu.memory_space<vmem>>, vector<1x16xf32>,
    %swap3A_424 = arith.constant 68 : i32
    %swap3A_425 = arith.index_cast %swap3A_424 : i32 to index
    %swap3A_426 = arith.constant 0 : index
    %swap3A_427 = tpu.vector_load %arg8[%swap3A_425, %swap3A_426] {strides = array<i32>} : memref<80x16xf32, #tpu.memory_space<vmem>>, vector<1x16xf32>,
    %swap3A_428 = vector.shape_cast %swap3A_427 : vector<1x16xf32> to vector<16xf32>
    %swap3A_429 = vector.shape_cast %broadcast_in_dim3A_16 : vector<16xf32> to vector<1x16xf32>
    tpu.vector_store %arg8[%swap3A_425, %swap3A_426], %swap3A_429 {strides = array<i32>} : memref<80x16xf32, #tpu.memory_space<vmem>>, vector<1x16xf32>,
    %swap3A_430 = arith.constant 69 : i32
    %swap3A_431 = arith.index_cast %swap3A_430 : i32 to index
    %swap3A_432 = arith.constant 0 : index
    %swap3A_433 = tpu.vector_load %arg8[%swap3A_431, %swap3A_432] {strides = array<i32>} : memref<80x16xf32, #tpu.memory_space<vmem>>, vector<1x16xf32>,
    %swap3A_434 = vector.shape_cast %swap3A_433 : vector<1x16xf32> to vector<16xf32>
    %swap3A_435 = vector.shape_cast %broadcast_in_dim3A_16 : vector<16xf32> to vector<1x16xf32>
    tpu.vector_store %arg8[%swap3A_431, %swap3A_432], %swap3A_435 {strides = array<i32>} : memref<80x16xf32, #tpu.memory_space<vmem>>, vector<1x16xf32>,
    %swap3A_436 = arith.constant 70 : i32
    %swap3A_437 = arith.index_cast %swap3A_436 : i32 to index
    %swap3A_438 = arith.constant 0 : index
    %swap3A_439 = tpu.vector_load %arg8[%swap3A_437, %swap3A_438] {strides = array<i32>} : memref<80x16xf32, #tpu.memory_space<vmem>>, vector<1x16xf32>,
    %swap3A_440 = vector.shape_cast %swap3A_439 : vector<1x16xf32> to vector<16xf32>
    %swap3A_441 = vector.shape_cast %broadcast_in_dim3A_16 : vector<16xf32> to vector<1x16xf32>
    tpu.vector_store %arg8[%swap3A_437, %swap3A_438], %swap3A_441 {strides = array<i32>} : memref<80x16xf32, #tpu.memory_space<vmem>>, vector<1x16xf32>,
    %swap3A_442 = arith.constant 71 : i32
    %swap3A_443 = arith.index_cast %swap3A_442 : i32 to index
    %swap3A_444 = arith.constant 0 : index
    %swap3A_445 = tpu.vector_load %arg8[%swap3A_443, %swap3A_444] {strides = array<i32>} : memref<80x16xf32, #tpu.memory_space<vmem>>, vector<1x16xf32>,
    %swap3A_446 = vector.shape_cast %swap3A_445 : vector<1x16xf32> to vector<16xf32>
    %swap3A_447 = vector.shape_cast %broadcast_in_dim3A_16 : vector<16xf32> to vector<1x16xf32>
    tpu.vector_store %arg8[%swap3A_443, %swap3A_444], %swap3A_447 {strides = array<i32>} : memref<80x16xf32, #tpu.memory_space<vmem>>, vector<1x16xf32>,
    %swap3A_448 = arith.constant 72 : i32
    %swap3A_449 = arith.index_cast %swap3A_448 : i32 to index
    %swap3A_450 = arith.constant 0 : index
    %swap3A_451 = tpu.vector_load %arg8[%swap3A_449, %swap3A_450] {strides = array<i32>} : memref<80x16xf32, #tpu.memory_space<vmem>>, vector<1x16xf32>,
    %swap3A_452 = vector.shape_cast %swap3A_451 : vector<1x16xf32> to vector<16xf32>
    %swap3A_453 = vector.shape_cast %broadcast_in_dim3A_16 : vector<16xf32> to vector<1x16xf32>
    tpu.vector_store %arg8[%swap3A_449, %swap3A_450], %swap3A_453 {strides = array<i32>} : memref<80x16xf32, #tpu.memory_space<vmem>>, vector<1x16xf32>,
    %swap3A_454 = arith.constant 73 : i32
    %swap3A_455 = arith.index_cast %swap3A_454 : i32 to index
    %swap3A_456 = arith.constant 0 : index
    %swap3A_457 = tpu.vector_load %arg8[%swap3A_455, %swap3A_456] {strides = array<i32>} : memref<80x16xf32, #tpu.memory_space<vmem>>, vector<1x16xf32>,
    %swap3A_458 = vector.shape_cast %swap3A_457 : vector<1x16xf32> to vector<16xf32>
    %swap3A_459 = vector.shape_cast %broadcast_in_dim3A_16 : vector<16xf32> to vector<1x16xf32>
    tpu.vector_store %arg8[%swap3A_455, %swap3A_456], %swap3A_459 {strides = array<i32>} : memref<80x16xf32, #tpu.memory_space<vmem>>, vector<1x16xf32>,
    %swap3A_460 = arith.constant 74 : i32
    %swap3A_461 = arith.index_cast %swap3A_460 : i32 to index
    %swap3A_462 = arith.constant 0 : index
    %swap3A_463 = tpu.vector_load %arg8[%swap3A_461, %swap3A_462] {strides = array<i32>} : memref<80x16xf32, #tpu.memory_space<vmem>>, vector<1x16xf32>,
    %swap3A_464 = vector.shape_cast %swap3A_463 : vector<1x16xf32> to vector<16xf32>
    %swap3A_465 = vector.shape_cast %broadcast_in_dim3A_16 : vector<16xf32> to vector<1x16xf32>
    tpu.vector_store %arg8[%swap3A_461, %swap3A_462], %swap3A_465 {strides = array<i32>} : memref<80x16xf32, #tpu.memory_space<vmem>>, vector<1x16xf32>,
    %swap3A_466 = arith.constant 75 : i32
    %swap3A_467 = arith.index_cast %swap3A_466 : i32 to index
    %swap3A_468 = arith.constant 0 : index
    %swap3A_469 = tpu.vector_load %arg8[%swap3A_467, %swap3A_468] {strides = array<i32>} : memref<80x16xf32, #tpu.memory_space<vmem>>, vector<1x16xf32>,
    %swap3A_470 = vector.shape_cast %swap3A_469 : vector<1x16xf32> to vector<16xf32>
    %swap3A_471 = vector.shape_cast %broadcast_in_dim3A_16 : vector<16xf32> to vector<1x16xf32>
    tpu.vector_store %arg8[%swap3A_467, %swap3A_468], %swap3A_471 {strides = array<i32>} : memref<80x16xf32, #tpu.memory_space<vmem>>, vector<1x16xf32>,
    %swap3A_472 = arith.constant 76 : i32
    %swap3A_473 = arith.index_cast %swap3A_472 : i32 to index
    %swap3A_474 = arith.constant 0 : index
    %swap3A_475 = tpu.vector_load %arg8[%swap3A_473, %swap3A_474] {strides = array<i32>} : memref<80x16xf32, #tpu.memory_space<vmem>>, vector<1x16xf32>,
    %swap3A_476 = vector.shape_cast %swap3A_475 : vector<1x16xf32> to vector<16xf32>
    %swap3A_477 = vector.shape_cast %broadcast_in_dim3A_16 : vector<16xf32> to vector<1x16xf32>
    tpu.vector_store %arg8[%swap3A_473, %swap3A_474], %swap3A_477 {strides = array<i32>} : memref<80x16xf32, #tpu.memory_space<vmem>>, vector<1x16xf32>,
    %swap3A_478 = arith.constant 77 : i32
    %swap3A_479 = arith.index_cast %swap3A_478 : i32 to index
    %swap3A_480 = arith.constant 0 : index
    %swap3A_481 = tpu.vector_load %arg8[%swap3A_479, %swap3A_480] {strides = array<i32>} : memref<80x16xf32, #tpu.memory_space<vmem>>, vector<1x16xf32>,
    %swap3A_482 = vector.shape_cast %swap3A_481 : vector<1x16xf32> to vector<16xf32>
    %swap3A_483 = vector.shape_cast %broadcast_in_dim3A_16 : vector<16xf32> to vector<1x16xf32>
    tpu.vector_store %arg8[%swap3A_479, %swap3A_480], %swap3A_483 {strides = array<i32>} : memref<80x16xf32, #tpu.memory_space<vmem>>, vector<1x16xf32>,
    %swap3A_484 = arith.constant 78 : i32
    %swap3A_485 = arith.index_cast %swap3A_484 : i32 to index
    %swap3A_486 = arith.constant 0 : index
    %swap3A_487 = tpu.vector_load %arg8[%swap3A_485, %swap3A_486] {strides = array<i32>} : memref<80x16xf32, #tpu.memory_space<vmem>>, vector<1x16xf32>,
    %swap3A_488 = vector.shape_cast %swap3A_487 : vector<1x16xf32> to vector<16xf32>
    %swap3A_489 = vector.shape_cast %broadcast_in_dim3A_16 : vector<16xf32> to vector<1x16xf32>
    tpu.vector_store %arg8[%swap3A_485, %swap3A_486], %swap3A_489 {strides = array<i32>} : memref<80x16xf32, #tpu.memory_space<vmem>>, vector<1x16xf32>,
    %swap3A_490 = arith.constant 79 : i32
    %swap3A_491 = arith.index_cast %swap3A_490 : i32 to index
    %swap3A_492 = arith.constant 0 : index
    %swap3A_493 = tpu.vector_load %arg8[%swap3A_491, %swap3A_492] {strides = array<i32>} : memref<80x16xf32, #tpu.memory_space<vmem>>, vector<1x16xf32>,
    %swap3A_494 = vector.shape_cast %swap3A_493 : vector<1x16xf32> to vector<16xf32>
    %swap3A_495 = vector.shape_cast %broadcast_in_dim3A_16 : vector<16xf32> to vector<1x16xf32>
    tpu.vector_store %arg8[%swap3A_491, %swap3A_492], %swap3A_495 {strides = array<i32>} : memref<80x16xf32, #tpu.memory_space<vmem>>, vector<1x16xf32>,
    %barrier3A = arith.constant 0 : index
    tpu.barrier barrier_id(%barrier3A)
    %scan3A_496 = arith.constant 0 : i32
    %scan3A_497 = arith.constant 0 : i32
    %scan3A_498 = arith.constant 50 : i32
    %scan3A_499 = arith.addi %scan3A_497, %scan3A_498 : i32
    %scan3A_500 = arith.constant 1 : i32
    %scan3A_501 = scf.for %scan3A_516 = %scan3A_497 to %scan3A_499 step %scan3A_500 iter_args(%scan3A_517 = %scan3A_496) -> (i32)  : i32 {
      %mul3A_518 = arith.constant 5 : i32
      %mul3A_519 = arith.muli %scan3A_516, %mul3A_518 : i32
      %add3A = arith.constant 0 : i32
      %add3A_520 = arith.addi %mul3A_519, %add3A : i32
      %mul3A_521 = arith.constant 80 : i32
      %mul3A_522 = arith.muli %add3A_520, %mul3A_521 : i32
      %dma_start3A = tpu.memref_slice %arg9[%mul3A_522] : memref<20000xi32, #tpu.memory_space<vmem>> -> memref<80xi32, #tpu.memory_space<vmem>>
      %dma_start3A_523 = arith.constant 0 : i32
      %dma_start3A_524 = arith.constant 0 : i32
      %dma_start3A_525 = tpu.memref_slice %arg6[%dma_start3A_523, %dma_start3A_524] : memref<10240x16xf32, #tpu.memory_space<vmem_shared>> -> memref<10240x16xf32, #tpu.memory_space<vmem_shared>>
      tpu.enqueue_indirect_dma source(%arg8 : memref<80x16xf32, #tpu.memory_space<vmem>>) target(%dma_start3A_525 : memref<10240x16xf32, #tpu.memory_space<vmem_shared>>) offsets(%dma_start3A : memref<80xi32, #tpu.memory_space<vmem>>) semaphore(%arg10 : memref<!tpu.dma_semaphore, #tpu.memory_space<semaphore_mem>>) {add = true}
      %mul3A_526 = arith.constant 5 : i32
      %mul3A_527 = arith.muli %scan3A_516, %mul3A_526 : i32
      %add3A_528 = arith.constant 1 : i32
      %add3A_529 = arith.addi %mul3A_527, %add3A_528 : i32
      %mul3A_530 = arith.constant 80 : i32
      %mul3A_531 = arith.muli %add3A_529, %mul3A_530 : i32
      %dma_start3A_532 = tpu.memref_slice %arg9[%mul3A_531] : memref<20000xi32, #tpu.memory_space<vmem>> -> memref<80xi32, #tpu.memory_space<vmem>>
      %dma_start3A_533 = arith.constant 0 : i32
      %dma_start3A_534 = arith.constant 0 : i32
      %dma_start3A_535 = tpu.memref_slice %arg6[%dma_start3A_533, %dma_start3A_534] : memref<10240x16xf32, #tpu.memory_space<vmem_shared>> -> memref<10240x16xf32, #tpu.memory_space<vmem_shared>>
      tpu.enqueue_indirect_dma source(%arg8 : memref<80x16xf32, #tpu.memory_space<vmem>>) target(%dma_start3A_535 : memref<10240x16xf32, #tpu.memory_space<vmem_shared>>) offsets(%dma_start3A_532 : memref<80xi32, #tpu.memory_space<vmem>>) semaphore(%arg10 : memref<!tpu.dma_semaphore, #tpu.memory_space<semaphore_mem>>) {add = true}
      %mul3A_536 = arith.constant 5 : i32
      %mul3A_537 = arith.muli %scan3A_516, %mul3A_536 : i32
      %add3A_538 = arith.constant 2 : i32
      %add3A_539 = arith.addi %mul3A_537, %add3A_538 : i32
      %mul3A_540 = arith.constant 80 : i32
      %mul3A_541 = arith.muli %add3A_539, %mul3A_540 : i32
      %dma_start3A_542 = tpu.memref_slice %arg9[%mul3A_541] : memref<20000xi32, #tpu.memory_space<vmem>> -> memref<80xi32, #tpu.memory_space<vmem>>
      %dma_start3A_543 = arith.constant 0 : i32
      %dma_start3A_544 = arith.constant 0 : i32
      %dma_start3A_545 = tpu.memref_slice %arg6[%dma_start3A_543, %dma_start3A_544] : memref<10240x16xf32, #tpu.memory_space<vmem_shared>> -> memref<10240x16xf32, #tpu.memory_space<vmem_shared>>
      tpu.enqueue_indirect_dma source(%arg8 : memref<80x16xf32, #tpu.memory_space<vmem>>) target(%dma_start3A_545 : memref<10240x16xf32, #tpu.memory_space<vmem_shared>>) offsets(%dma_start3A_542 : memref<80xi32, #tpu.memory_space<vmem>>) semaphore(%arg10 : memref<!tpu.dma_semaphore, #tpu.memory_space<semaphore_mem>>) {add = true}
      %mul3A_546 = arith.constant 5 : i32
      %mul3A_547 = arith.muli %scan3A_516, %mul3A_546 : i32
      %add3A_548 = arith.constant 3 : i32
      %add3A_549 = arith.addi %mul3A_547, %add3A_548 : i32
      %mul3A_550 = arith.constant 80 : i32
      %mul3A_551 = arith.muli %add3A_549, %mul3A_550 : i32
      %dma_start3A_552 = tpu.memref_slice %arg9[%mul3A_551] : memref<20000xi32, #tpu.memory_space<vmem>> -> memref<80xi32, #tpu.memory_space<vmem>>
      %dma_start3A_553 = arith.constant 0 : i32
      %dma_start3A_554 = arith.constant 0 : i32
      %dma_start3A_555 = tpu.memref_slice %arg6[%dma_start3A_553, %dma_start3A_554] : memref<10240x16xf32, #tpu.memory_space<vmem_shared>> -> memref<10240x16xf32, #tpu.memory_space<vmem_shared>>
      tpu.enqueue_indirect_dma source(%arg8 : memref<80x16xf32, #tpu.memory_space<vmem>>) target(%dma_start3A_555 : memref<10240x16xf32, #tpu.memory_space<vmem_shared>>) offsets(%dma_start3A_552 : memref<80xi32, #tpu.memory_space<vmem>>) semaphore(%arg10 : memref<!tpu.dma_semaphore, #tpu.memory_space<semaphore_mem>>) {add = true}
      %mul3A_556 = arith.constant 5 : i32
      %mul3A_557 = arith.muli %scan3A_516, %mul3A_556 : i32
      %add3A_558 = arith.constant 4 : i32
      %add3A_559 = arith.addi %mul3A_557, %add3A_558 : i32
      %mul3A_560 = arith.constant 80 : i32
      %mul3A_561 = arith.muli %add3A_559, %mul3A_560 : i32
      %dma_start3A_562 = tpu.memref_slice %arg9[%mul3A_561] : memref<20000xi32, #tpu.memory_space<vmem>> -> memref<80xi32, #tpu.memory_space<vmem>>
      %dma_start3A_563 = arith.constant 0 : i32
      %dma_start3A_564 = arith.constant 0 : i32
      %dma_start3A_565 = tpu.memref_slice %arg6[%dma_start3A_563, %dma_start3A_564] : memref<10240x16xf32, #tpu.memory_space<vmem_shared>> -> memref<10240x16xf32, #tpu.memory_space<vmem_shared>>
      tpu.enqueue_indirect_dma source(%arg8 : memref<80x16xf32, #tpu.memory_space<vmem>>) target(%dma_start3A_565 : memref<10240x16xf32, #tpu.memory_space<vmem_shared>>) offsets(%dma_start3A_562 : memref<80xi32, #tpu.memory_space<vmem>>) semaphore(%arg10 : memref<!tpu.dma_semaphore, #tpu.memory_space<semaphore_mem>>) {add = true}
      %dma_wait3A = arith.constant 0 : i32
      %dma_wait3A_566 = tpu.memref_slice %arg9[%dma_wait3A] : memref<20000xi32, #tpu.memory_space<vmem>> -> memref<80xi32, #tpu.memory_space<vmem>>
      %dma_wait3A_567 = arith.constant 0 : i32
      %dma_wait3A_568 = arith.constant 0 : i32
      %dma_wait3A_569 = tpu.memref_slice %arg6[%dma_wait3A_567, %dma_wait3A_568] : memref<10240x16xf32, #tpu.memory_space<vmem_shared>> -> memref<10240x16xf32, #tpu.memory_space<vmem_shared>>
      tpu.wait_indirect_dma semaphore(%arg10 : memref<!tpu.dma_semaphore, #tpu.memory_space<semaphore_mem>>) src(%arg8 : memref<80x16xf32, #tpu.memory_space<vmem>>) dst(%dma_wait3A_569 : memref<10240x16xf32, #tpu.memory_space<vmem_shared>>)
      %dma_wait3A_570 = arith.constant 0 : i32
      %dma_wait3A_571 = tpu.memref_slice %arg9[%dma_wait3A_570] : memref<20000xi32, #tpu.memory_space<vmem>> -> memref<80xi32, #tpu.memory_space<vmem>>
      %dma_wait3A_572 = arith.constant 0 : i32
      %dma_wait3A_573 = arith.constant 0 : i32
      %dma_wait3A_574 = tpu.memref_slice %arg6[%dma_wait3A_572, %dma_wait3A_573] : memref<10240x16xf32, #tpu.memory_space<vmem_shared>> -> memref<10240x16xf32, #tpu.memory_space<vmem_shared>>
      tpu.wait_indirect_dma semaphore(%arg10 : memref<!tpu.dma_semaphore, #tpu.memory_space<semaphore_mem>>) src(%arg8 : memref<80x16xf32, #tpu.memory_space<vmem>>) dst(%dma_wait3A_574 : memref<10240x16xf32, #tpu.memory_space<vmem_shared>>)
      %dma_wait3A_575 = arith.constant 0 : i32
      %dma_wait3A_576 = tpu.memref_slice %arg9[%dma_wait3A_575] : memref<20000xi32, #tpu.memory_space<vmem>> -> memref<80xi32, #tpu.memory_space<vmem>>
      %dma_wait3A_577 = arith.constant 0 : i32
      %dma_wait3A_578 = arith.constant 0 : i32
      %dma_wait3A_579 = tpu.memref_slice %arg6[%dma_wait3A_577, %dma_wait3A_578] : memref<10240x16xf32, #tpu.memory_space<vmem_shared>> -> memref<10240x16xf32, #tpu.memory_space<vmem_shared>>
      tpu.wait_indirect_dma semaphore(%arg10 : memref<!tpu.dma_semaphore, #tpu.memory_space<semaphore_mem>>) src(%arg8 : memref<80x16xf32, #tpu.memory_space<vmem>>) dst(%dma_wait3A_579 : memref<10240x16xf32, #tpu.memory_space<vmem_shared>>)
      %dma_wait3A_580 = arith.constant 0 : i32
      %dma_wait3A_581 = tpu.memref_slice %arg9[%dma_wait3A_580] : memref<20000xi32, #tpu.memory_space<vmem>> -> memref<80xi32, #tpu.memory_space<vmem>>
      %dma_wait3A_582 = arith.constant 0 : i32
      %dma_wait3A_583 = arith.constant 0 : i32
      %dma_wait3A_584 = tpu.memref_slice %arg6[%dma_wait3A_582, %dma_wait3A_583] : memref<10240x16xf32, #tpu.memory_space<vmem_shared>> -> memref<10240x16xf32, #tpu.memory_space<vmem_shared>>
      tpu.wait_indirect_dma semaphore(%arg10 : memref<!tpu.dma_semaphore, #tpu.memory_space<semaphore_mem>>) src(%arg8 : memref<80x16xf32, #tpu.memory_space<vmem>>) dst(%dma_wait3A_584 : memref<10240x16xf32, #tpu.memory_space<vmem_shared>>)
      %dma_wait3A_585 = arith.constant 0 : i32
      %dma_wait3A_586 = tpu.memref_slice %arg9[%dma_wait3A_585] : memref<20000xi32, #tpu.memory_space<vmem>> -> memref<80xi32, #tpu.memory_space<vmem>>
      %dma_wait3A_587 = arith.constant 0 : i32
      %dma_wait3A_588 = arith.constant 0 : i32
      %dma_wait3A_589 = tpu.memref_slice %arg6[%dma_wait3A_587, %dma_wait3A_588] : memref<10240x16xf32, #tpu.memory_space<vmem_shared>> -> memref<10240x16xf32, #tpu.memory_space<vmem_shared>>
      tpu.wait_indirect_dma semaphore(%arg10 : memref<!tpu.dma_semaphore, #tpu.memory_space<semaphore_mem>>) src(%arg8 : memref<80x16xf32, #tpu.memory_space<vmem>>) dst(%dma_wait3A_589 : memref<10240x16xf32, #tpu.memory_space<vmem_shared>>)
      %scan3A_590 = arith.constant 0 : i32
      scf.yield %scan3A_590 : i32
    }
    %scan3A_502 = arith.constant 50 : i32
    %barrier3A_503 = arith.constant 0 : index
    tpu.barrier barrier_id(%barrier3A_503)
    %mul3A_504 = arith.constant 640 : i32
    %mul3A_505 = arith.muli %arg1, %mul3A_504 : i32
    %eq3A_506 = arith.constant 0 : i32
    %eq3A_507 = arith.cmpi eq, %arg0, %eq3A_506 : i32
    %convert_element_type3A_508 = arith.extui %eq3A_507 : i1 to i32
    %cond3A_509 = arith.constant 0 : i32
    %cond3A_510 = arith.cmpi ne, %convert_element_type3A_508, %cond3A_509 : i32
    scf.if %cond3A_510 {
      "tpu.region"() ({
        %run_scoped3A = tpu.sem_alloc : memref<!tpu.dma_semaphore, #tpu.memory_space<semaphore_mem>>
        %dma_start3A = arith.constant 0 : i32
        %dma_start3A_516 = tpu.memref_slice %arg4[%mul3A_505, %dma_start3A] : memref<10240x128xf32, #tpu.memory_space<hbm>> -> memref<640x16xf32, #tpu.memory_space<hbm>>
        %dma_start3A_517 = arith.constant 0 : i32
        %dma_start3A_518 = tpu.memref_slice %arg6[%mul3A_505, %dma_start3A_517] : memref<10240x16xf32, #tpu.memory_space<vmem_shared>> -> memref<640x16xf32, #tpu.memory_space<vmem_shared>>
        tpu.enqueue_dma source(%dma_start3A_518 : memref<640x16xf32, #tpu.memory_space<vmem_shared>>) target(%dma_start3A_516 : memref<640x16xf32, #tpu.memory_space<hbm>>) target_semaphore(%run_scoped3A : memref<!tpu.dma_semaphore, #tpu.memory_space<semaphore_mem>>)
        %dma_wait3A = arith.constant 0 : i32
        %dma_wait3A_519 = tpu.memref_slice %arg4[%mul3A_505, %dma_wait3A] : memref<10240x128xf32, #tpu.memory_space<hbm>> -> memref<640x16xf32, #tpu.memory_space<hbm>>
        %dma_wait3A_520 = arith.constant 0 : i32
        %dma_wait3A_521 = tpu.memref_slice %arg6[%mul3A_505, %dma_wait3A_520] : memref<10240x16xf32, #tpu.memory_space<vmem_shared>> -> memref<640x16xf32, #tpu.memory_space<vmem_shared>>
        tpu.wait_dma2 semaphore(%run_scoped3A : memref<!tpu.dma_semaphore, #tpu.memory_space<semaphore_mem>>) src(%dma_wait3A_521 : memref<640x16xf32, #tpu.memory_space<vmem_shared>>) dst(%dma_wait3A_519 : memref<640x16xf32, #tpu.memory_space<hbm>>)
        tpu.yield
      }) : () -> ()
    } else {
    }
    %eq3A_511 = arith.constant 1 : i32
    %eq3A_512 = arith.cmpi eq, %arg0, %eq3A_511 : i32
    %convert_element_type3A_513 = arith.extui %eq3A_512 : i1 to i32
    %cond3A_514 = arith.constant 0 : i32
    %cond3A_515 = arith.cmpi ne, %convert_element_type3A_513, %cond3A_514 : i32
    scf.if %cond3A_515 {
      "tpu.region"() ({
        %run_scoped3A = tpu.sem_alloc : memref<!tpu.dma_semaphore, #tpu.memory_space<semaphore_mem>>
        %dma_start3A = arith.constant 0 : i32
        %dma_start3A_516 = tpu.memref_slice %arg5[%mul3A_505, %dma_start3A] : memref<10240x128xf32, #tpu.memory_space<hbm>> -> memref<640x16xf32, #tpu.memory_space<hbm>>
        %dma_start3A_517 = arith.constant 0 : i32
        %dma_start3A_518 = tpu.memref_slice %arg6[%mul3A_505, %dma_start3A_517] : memref<10240x16xf32, #tpu.memory_space<vmem_shared>> -> memref<640x16xf32, #tpu.memory_space<vmem_shared>>
        tpu.enqueue_dma source(%dma_start3A_518 : memref<640x16xf32, #tpu.memory_space<vmem_shared>>) target(%dma_start3A_516 : memref<640x16xf32, #tpu.memory_space<hbm>>) target_semaphore(%run_scoped3A : memref<!tpu.dma_semaphore, #tpu.memory_space<semaphore_mem>>)
        %dma_wait3A = arith.constant 0 : i32
        %dma_wait3A_519 = tpu.memref_slice %arg5[%mul3A_505, %dma_wait3A] : memref<10240x128xf32, #tpu.memory_space<hbm>> -> memref<640x16xf32, #tpu.memory_space<hbm>>
        %dma_wait3A_520 = arith.constant 0 : i32
        %dma_wait3A_521 = tpu.memref_slice %arg6[%mul3A_505, %dma_wait3A_520] : memref<10240x16xf32, #tpu.memory_space<vmem_shared>> -> memref<640x16xf32, #tpu.memory_space<vmem_shared>>
        tpu.wait_dma2 semaphore(%run_scoped3A : memref<!tpu.dma_semaphore, #tpu.memory_space<semaphore_mem>>) src(%dma_wait3A_521 : memref<640x16xf32, #tpu.memory_space<vmem_shared>>) dst(%dma_wait3A_519 : memref<640x16xf32, #tpu.memory_space<hbm>>)
        tpu.yield
      }) : () -> ()
    } else {
    }
    return
  }
}

#map = affine_map<(d0, d1) -> (0, 0)>
#map1 = affine_map<(d0, d1) -> (0)>
#map2 = affine_map<(d0, d1) -> (0, 0, 0)>
module attributes {stable_mosaic.version = 14 : i64} {
  func.func @k(%arg0: i32, %arg1: i32, %arg2: memref<100000x128xf32, #tpu.memory_space<hbm>>, %arg3: memref<320000xi32, #tpu.memory_space<hbm>>, %arg4: memref<320000xi32, #tpu.memory_space<hbm>>, %arg5: memref<2x10240x128xf32, #tpu.memory_space<hbm>>, %arg6: memref<10240x128xf32, #tpu.memory_space<vmem_shared>>, %arg7: memref<2000xi32, #tpu.memory_space<vmem>>, %arg8: memref<2000xi32, #tpu.memory_space<vmem>>, %arg9: memref<80x128xf32, #tpu.memory_space<vmem>>, %arg10: memref<80x128xf32, #tpu.memory_space<vmem>>, %arg11: memref<80x128xf32, #tpu.memory_space<vmem>>, %arg12: memref<80x128xf32, #tpu.memory_space<vmem>>, %arg13: memref<!tpu.dma_semaphore, #tpu.memory_space<semaphore_mem>>, %arg14: memref<!tpu.dma_semaphore, #tpu.memory_space<semaphore_mem>>, %arg15: memref<!tpu.dma_semaphore, #tpu.memory_space<semaphore_mem>>, %arg16: memref<!tpu.dma_semaphore, #tpu.memory_space<semaphore_mem>>) attributes {dimension_semantics = [#tpu.dimension_semantics<core_parallel>, #tpu.dimension_semantics<subcore_parallel>], iteration_bounds = array<i64: 2, 16>, scalar_prefetch = 0 : i64, scratch_operands = 11 : i64, tpu.core_type = #tpu.core_type<sc_vector_subcore>, window_params = [{transform_indices = #map}, {transform_indices = #map1}, {transform_indices = #map1}, {transform_indices = #map2}]} {
    %mul3A = arith.constant 2 : i32
    %mul3A_0 = arith.muli %arg1, %mul3A : i32
    %add3A = arith.addi %mul3A_0, %arg0 : i32
    %mul3A_1 = arith.constant 640 : i32
    %mul3A_2 = arith.muli %arg1, %mul3A_1 : i32
    %mul3A_3 = arith.constant 10000 : i32
    %mul3A_4 = arith.muli %add3A, %mul3A_3 : i32
    %broadcast_in_dim3A = arith.constant 0.000000e+00 : f32
    %broadcast_in_dim3A_5 = vector.broadcast %broadcast_in_dim3A : f32 to vector<16xf32>
    %scan3A = arith.constant 0 : i32
    %scan3A_6 = arith.constant 0 : i32
    %scan3A_7 = arith.constant 80 : i32
    %scan3A_8 = arith.addi %scan3A_6, %scan3A_7 : i32
    %scan3A_9 = arith.constant 1 : i32
    %scan3A_10 = scf.for %scan3A_43 = %scan3A_6 to %scan3A_8 step %scan3A_9 iter_args(%scan3A_44 = %scan3A) -> (i32)  : i32 {
      %swap3A = arith.index_cast %scan3A_43 : i32 to index
      %swap3A_45 = arith.constant 0 : index
      %swap3A_46 = tpu.vector_load %arg9[%swap3A, %swap3A_45] {strides = array<i32>} : memref<80x128xf32, #tpu.memory_space<vmem>>, vector<1x16xf32>,
      %swap3A_47 = vector.shape_cast %swap3A_46 : vector<1x16xf32> to vector<16xf32>
      %swap3A_48 = vector.shape_cast %broadcast_in_dim3A_5 : vector<16xf32> to vector<1x16xf32>
      tpu.vector_store %arg9[%swap3A, %swap3A_45], %swap3A_48 {strides = array<i32>} : memref<80x128xf32, #tpu.memory_space<vmem>>, vector<1x16xf32>,
      %swap3A_49 = arith.index_cast %scan3A_43 : i32 to index
      %swap3A_50 = arith.constant 16 : index
      %swap3A_51 = tpu.vector_load %arg9[%swap3A_49, %swap3A_50] {strides = array<i32>} : memref<80x128xf32, #tpu.memory_space<vmem>>, vector<1x16xf32>,
      %swap3A_52 = vector.shape_cast %swap3A_51 : vector<1x16xf32> to vector<16xf32>
      %swap3A_53 = vector.shape_cast %broadcast_in_dim3A_5 : vector<16xf32> to vector<1x16xf32>
      tpu.vector_store %arg9[%swap3A_49, %swap3A_50], %swap3A_53 {strides = array<i32>} : memref<80x128xf32, #tpu.memory_space<vmem>>, vector<1x16xf32>,
      %swap3A_54 = arith.index_cast %scan3A_43 : i32 to index
      %swap3A_55 = arith.constant 32 : index
      %swap3A_56 = tpu.vector_load %arg9[%swap3A_54, %swap3A_55] {strides = array<i32>} : memref<80x128xf32, #tpu.memory_space<vmem>>, vector<1x16xf32>,
      %swap3A_57 = vector.shape_cast %swap3A_56 : vector<1x16xf32> to vector<16xf32>
      %swap3A_58 = vector.shape_cast %broadcast_in_dim3A_5 : vector<16xf32> to vector<1x16xf32>
      tpu.vector_store %arg9[%swap3A_54, %swap3A_55], %swap3A_58 {strides = array<i32>} : memref<80x128xf32, #tpu.memory_space<vmem>>, vector<1x16xf32>,
      %swap3A_59 = arith.index_cast %scan3A_43 : i32 to index
      %swap3A_60 = arith.constant 48 : index
      %swap3A_61 = tpu.vector_load %arg9[%swap3A_59, %swap3A_60] {strides = array<i32>} : memref<80x128xf32, #tpu.memory_space<vmem>>, vector<1x16xf32>,
      %swap3A_62 = vector.shape_cast %swap3A_61 : vector<1x16xf32> to vector<16xf32>
      %swap3A_63 = vector.shape_cast %broadcast_in_dim3A_5 : vector<16xf32> to vector<1x16xf32>
      tpu.vector_store %arg9[%swap3A_59, %swap3A_60], %swap3A_63 {strides = array<i32>} : memref<80x128xf32, #tpu.memory_space<vmem>>, vector<1x16xf32>,
      %swap3A_64 = arith.index_cast %scan3A_43 : i32 to index
      %swap3A_65 = arith.constant 64 : index
      %swap3A_66 = tpu.vector_load %arg9[%swap3A_64, %swap3A_65] {strides = array<i32>} : memref<80x128xf32, #tpu.memory_space<vmem>>, vector<1x16xf32>,
      %swap3A_67 = vector.shape_cast %swap3A_66 : vector<1x16xf32> to vector<16xf32>
      %swap3A_68 = vector.shape_cast %broadcast_in_dim3A_5 : vector<16xf32> to vector<1x16xf32>
      tpu.vector_store %arg9[%swap3A_64, %swap3A_65], %swap3A_68 {strides = array<i32>} : memref<80x128xf32, #tpu.memory_space<vmem>>, vector<1x16xf32>,
      %swap3A_69 = arith.index_cast %scan3A_43 : i32 to index
      %swap3A_70 = arith.constant 80 : index
      %swap3A_71 = tpu.vector_load %arg9[%swap3A_69, %swap3A_70] {strides = array<i32>} : memref<80x128xf32, #tpu.memory_space<vmem>>, vector<1x16xf32>,
      %swap3A_72 = vector.shape_cast %swap3A_71 : vector<1x16xf32> to vector<16xf32>
      %swap3A_73 = vector.shape_cast %broadcast_in_dim3A_5 : vector<16xf32> to vector<1x16xf32>
      tpu.vector_store %arg9[%swap3A_69, %swap3A_70], %swap3A_73 {strides = array<i32>} : memref<80x128xf32, #tpu.memory_space<vmem>>, vector<1x16xf32>,
      %swap3A_74 = arith.index_cast %scan3A_43 : i32 to index
      %swap3A_75 = arith.constant 96 : index
      %swap3A_76 = tpu.vector_load %arg9[%swap3A_74, %swap3A_75] {strides = array<i32>} : memref<80x128xf32, #tpu.memory_space<vmem>>, vector<1x16xf32>,
      %swap3A_77 = vector.shape_cast %swap3A_76 : vector<1x16xf32> to vector<16xf32>
      %swap3A_78 = vector.shape_cast %broadcast_in_dim3A_5 : vector<16xf32> to vector<1x16xf32>
      tpu.vector_store %arg9[%swap3A_74, %swap3A_75], %swap3A_78 {strides = array<i32>} : memref<80x128xf32, #tpu.memory_space<vmem>>, vector<1x16xf32>,
      %swap3A_79 = arith.index_cast %scan3A_43 : i32 to index
      %swap3A_80 = arith.constant 112 : index
      %swap3A_81 = tpu.vector_load %arg9[%swap3A_79, %swap3A_80] {strides = array<i32>} : memref<80x128xf32, #tpu.memory_space<vmem>>, vector<1x16xf32>,
      %swap3A_82 = vector.shape_cast %swap3A_81 : vector<1x16xf32> to vector<16xf32>
      %swap3A_83 = vector.shape_cast %broadcast_in_dim3A_5 : vector<16xf32> to vector<1x16xf32>
      tpu.vector_store %arg9[%swap3A_79, %swap3A_80], %swap3A_83 {strides = array<i32>} : memref<80x128xf32, #tpu.memory_space<vmem>>, vector<1x16xf32>,
      %scan3A_84 = arith.constant 0 : i32
      scf.yield %scan3A_84 : i32
    }
    %scan3A_11 = arith.constant 80 : i32
    %add3A_12 = arith.constant 0 : i32
    %add3A_13 = arith.addi %mul3A_2, %add3A_12 : i32
    "tpu.region"() ({
      %run_scoped3A = tpu.sem_alloc : memref<!tpu.dma_semaphore, #tpu.memory_space<semaphore_mem>>
      %dma_start3A = arith.constant 0 : i32
      %dma_start3A_43 = tpu.memref_slice %arg6[%add3A_13, %dma_start3A] : memref<10240x128xf32, #tpu.memory_space<vmem_shared>> -> memref<80x128xf32, #tpu.memory_space<vmem_shared>>
      %dma_start3A_44 = arith.constant 0 : i32
      %dma_start3A_45 = tpu.memref_slice %arg6[%add3A_13, %dma_start3A_44] : memref<10240x128xf32, #tpu.memory_space<vmem_shared>> -> memref<80x128xf32, #tpu.memory_space<vmem_shared>>
      tpu.enqueue_dma source(%arg9 : memref<80x128xf32, #tpu.memory_space<vmem>>) target(%dma_start3A_45 : memref<80x128xf32, #tpu.memory_space<vmem_shared>>) target_semaphore(%run_scoped3A : memref<!tpu.dma_semaphore, #tpu.memory_space<semaphore_mem>>)
      %dma_wait3A = arith.constant 0 : i32
      %dma_wait3A_46 = tpu.memref_slice %arg6[%add3A_13, %dma_wait3A] : memref<10240x128xf32, #tpu.memory_space<vmem_shared>> -> memref<80x128xf32, #tpu.memory_space<vmem_shared>>
      %dma_wait3A_47 = arith.constant 0 : i32
      %dma_wait3A_48 = tpu.memref_slice %arg6[%add3A_13, %dma_wait3A_47] : memref<10240x128xf32, #tpu.memory_space<vmem_shared>> -> memref<80x128xf32, #tpu.memory_space<vmem_shared>>
      tpu.wait_dma2 semaphore(%run_scoped3A : memref<!tpu.dma_semaphore, #tpu.memory_space<semaphore_mem>>) src(%arg9 : memref<80x128xf32, #tpu.memory_space<vmem>>) dst(%dma_wait3A_48 : memref<80x128xf32, #tpu.memory_space<vmem_shared>>)
      tpu.yield
    }) : () -> ()
    %add3A_14 = arith.constant 80 : i32
    %add3A_15 = arith.addi %mul3A_2, %add3A_14 : i32
    "tpu.region"() ({
      %run_scoped3A = tpu.sem_alloc : memref<!tpu.dma_semaphore, #tpu.memory_space<semaphore_mem>>
      %dma_start3A = arith.constant 0 : i32
      %dma_start3A_43 = tpu.memref_slice %arg6[%add3A_15, %dma_start3A] : memref<10240x128xf32, #tpu.memory_space<vmem_shared>> -> memref<80x128xf32, #tpu.memory_space<vmem_shared>>
      %dma_start3A_44 = arith.constant 0 : i32
      %dma_start3A_45 = tpu.memref_slice %arg6[%add3A_15, %dma_start3A_44] : memref<10240x128xf32, #tpu.memory_space<vmem_shared>> -> memref<80x128xf32, #tpu.memory_space<vmem_shared>>
      tpu.enqueue_dma source(%arg9 : memref<80x128xf32, #tpu.memory_space<vmem>>) target(%dma_start3A_45 : memref<80x128xf32, #tpu.memory_space<vmem_shared>>) target_semaphore(%run_scoped3A : memref<!tpu.dma_semaphore, #tpu.memory_space<semaphore_mem>>)
      %dma_wait3A = arith.constant 0 : i32
      %dma_wait3A_46 = tpu.memref_slice %arg6[%add3A_15, %dma_wait3A] : memref<10240x128xf32, #tpu.memory_space<vmem_shared>> -> memref<80x128xf32, #tpu.memory_space<vmem_shared>>
      %dma_wait3A_47 = arith.constant 0 : i32
      %dma_wait3A_48 = tpu.memref_slice %arg6[%add3A_15, %dma_wait3A_47] : memref<10240x128xf32, #tpu.memory_space<vmem_shared>> -> memref<80x128xf32, #tpu.memory_space<vmem_shared>>
      tpu.wait_dma2 semaphore(%run_scoped3A : memref<!tpu.dma_semaphore, #tpu.memory_space<semaphore_mem>>) src(%arg9 : memref<80x128xf32, #tpu.memory_space<vmem>>) dst(%dma_wait3A_48 : memref<80x128xf32, #tpu.memory_space<vmem_shared>>)
      tpu.yield
    }) : () -> ()
    %add3A_16 = arith.constant 160 : i32
    %add3A_17 = arith.addi %mul3A_2, %add3A_16 : i32
    "tpu.region"() ({
      %run_scoped3A = tpu.sem_alloc : memref<!tpu.dma_semaphore, #tpu.memory_space<semaphore_mem>>
      %dma_start3A = arith.constant 0 : i32
      %dma_start3A_43 = tpu.memref_slice %arg6[%add3A_17, %dma_start3A] : memref<10240x128xf32, #tpu.memory_space<vmem_shared>> -> memref<80x128xf32, #tpu.memory_space<vmem_shared>>
      %dma_start3A_44 = arith.constant 0 : i32
      %dma_start3A_45 = tpu.memref_slice %arg6[%add3A_17, %dma_start3A_44] : memref<10240x128xf32, #tpu.memory_space<vmem_shared>> -> memref<80x128xf32, #tpu.memory_space<vmem_shared>>
      tpu.enqueue_dma source(%arg9 : memref<80x128xf32, #tpu.memory_space<vmem>>) target(%dma_start3A_45 : memref<80x128xf32, #tpu.memory_space<vmem_shared>>) target_semaphore(%run_scoped3A : memref<!tpu.dma_semaphore, #tpu.memory_space<semaphore_mem>>)
      %dma_wait3A = arith.constant 0 : i32
      %dma_wait3A_46 = tpu.memref_slice %arg6[%add3A_17, %dma_wait3A] : memref<10240x128xf32, #tpu.memory_space<vmem_shared>> -> memref<80x128xf32, #tpu.memory_space<vmem_shared>>
      %dma_wait3A_47 = arith.constant 0 : i32
      %dma_wait3A_48 = tpu.memref_slice %arg6[%add3A_17, %dma_wait3A_47] : memref<10240x128xf32, #tpu.memory_space<vmem_shared>> -> memref<80x128xf32, #tpu.memory_space<vmem_shared>>
      tpu.wait_dma2 semaphore(%run_scoped3A : memref<!tpu.dma_semaphore, #tpu.memory_space<semaphore_mem>>) src(%arg9 : memref<80x128xf32, #tpu.memory_space<vmem>>) dst(%dma_wait3A_48 : memref<80x128xf32, #tpu.memory_space<vmem_shared>>)
      tpu.yield
    }) : () -> ()
    %add3A_18 = arith.constant 240 : i32
    %add3A_19 = arith.addi %mul3A_2, %add3A_18 : i32
    "tpu.region"() ({
      %run_scoped3A = tpu.sem_alloc : memref<!tpu.dma_semaphore, #tpu.memory_space<semaphore_mem>>
      %dma_start3A = arith.constant 0 : i32
      %dma_start3A_43 = tpu.memref_slice %arg6[%add3A_19, %dma_start3A] : memref<10240x128xf32, #tpu.memory_space<vmem_shared>> -> memref<80x128xf32, #tpu.memory_space<vmem_shared>>
      %dma_start3A_44 = arith.constant 0 : i32
      %dma_start3A_45 = tpu.memref_slice %arg6[%add3A_19, %dma_start3A_44] : memref<10240x128xf32, #tpu.memory_space<vmem_shared>> -> memref<80x128xf32, #tpu.memory_space<vmem_shared>>
      tpu.enqueue_dma source(%arg9 : memref<80x128xf32, #tpu.memory_space<vmem>>) target(%dma_start3A_45 : memref<80x128xf32, #tpu.memory_space<vmem_shared>>) target_semaphore(%run_scoped3A : memref<!tpu.dma_semaphore, #tpu.memory_space<semaphore_mem>>)
      %dma_wait3A = arith.constant 0 : i32
      %dma_wait3A_46 = tpu.memref_slice %arg6[%add3A_19, %dma_wait3A] : memref<10240x128xf32, #tpu.memory_space<vmem_shared>> -> memref<80x128xf32, #tpu.memory_space<vmem_shared>>
      %dma_wait3A_47 = arith.constant 0 : i32
      %dma_wait3A_48 = tpu.memref_slice %arg6[%add3A_19, %dma_wait3A_47] : memref<10240x128xf32, #tpu.memory_space<vmem_shared>> -> memref<80x128xf32, #tpu.memory_space<vmem_shared>>
      tpu.wait_dma2 semaphore(%run_scoped3A : memref<!tpu.dma_semaphore, #tpu.memory_space<semaphore_mem>>) src(%arg9 : memref<80x128xf32, #tpu.memory_space<vmem>>) dst(%dma_wait3A_48 : memref<80x128xf32, #tpu.memory_space<vmem_shared>>)
      tpu.yield
    }) : () -> ()
    %add3A_20 = arith.constant 320 : i32
    %add3A_21 = arith.addi %mul3A_2, %add3A_20 : i32
    "tpu.region"() ({
      %run_scoped3A = tpu.sem_alloc : memref<!tpu.dma_semaphore, #tpu.memory_space<semaphore_mem>>
      %dma_start3A = arith.constant 0 : i32
      %dma_start3A_43 = tpu.memref_slice %arg6[%add3A_21, %dma_start3A] : memref<10240x128xf32, #tpu.memory_space<vmem_shared>> -> memref<80x128xf32, #tpu.memory_space<vmem_shared>>
      %dma_start3A_44 = arith.constant 0 : i32
      %dma_start3A_45 = tpu.memref_slice %arg6[%add3A_21, %dma_start3A_44] : memref<10240x128xf32, #tpu.memory_space<vmem_shared>> -> memref<80x128xf32, #tpu.memory_space<vmem_shared>>
      tpu.enqueue_dma source(%arg9 : memref<80x128xf32, #tpu.memory_space<vmem>>) target(%dma_start3A_45 : memref<80x128xf32, #tpu.memory_space<vmem_shared>>) target_semaphore(%run_scoped3A : memref<!tpu.dma_semaphore, #tpu.memory_space<semaphore_mem>>)
      %dma_wait3A = arith.constant 0 : i32
      %dma_wait3A_46 = tpu.memref_slice %arg6[%add3A_21, %dma_wait3A] : memref<10240x128xf32, #tpu.memory_space<vmem_shared>> -> memref<80x128xf32, #tpu.memory_space<vmem_shared>>
      %dma_wait3A_47 = arith.constant 0 : i32
      %dma_wait3A_48 = tpu.memref_slice %arg6[%add3A_21, %dma_wait3A_47] : memref<10240x128xf32, #tpu.memory_space<vmem_shared>> -> memref<80x128xf32, #tpu.memory_space<vmem_shared>>
      tpu.wait_dma2 semaphore(%run_scoped3A : memref<!tpu.dma_semaphore, #tpu.memory_space<semaphore_mem>>) src(%arg9 : memref<80x128xf32, #tpu.memory_space<vmem>>) dst(%dma_wait3A_48 : memref<80x128xf32, #tpu.memory_space<vmem_shared>>)
      tpu.yield
    }) : () -> ()
    %add3A_22 = arith.constant 400 : i32
    %add3A_23 = arith.addi %mul3A_2, %add3A_22 : i32
    "tpu.region"() ({
      %run_scoped3A = tpu.sem_alloc : memref<!tpu.dma_semaphore, #tpu.memory_space<semaphore_mem>>
      %dma_start3A = arith.constant 0 : i32
      %dma_start3A_43 = tpu.memref_slice %arg6[%add3A_23, %dma_start3A] : memref<10240x128xf32, #tpu.memory_space<vmem_shared>> -> memref<80x128xf32, #tpu.memory_space<vmem_shared>>
      %dma_start3A_44 = arith.constant 0 : i32
      %dma_start3A_45 = tpu.memref_slice %arg6[%add3A_23, %dma_start3A_44] : memref<10240x128xf32, #tpu.memory_space<vmem_shared>> -> memref<80x128xf32, #tpu.memory_space<vmem_shared>>
      tpu.enqueue_dma source(%arg9 : memref<80x128xf32, #tpu.memory_space<vmem>>) target(%dma_start3A_45 : memref<80x128xf32, #tpu.memory_space<vmem_shared>>) target_semaphore(%run_scoped3A : memref<!tpu.dma_semaphore, #tpu.memory_space<semaphore_mem>>)
      %dma_wait3A = arith.constant 0 : i32
      %dma_wait3A_46 = tpu.memref_slice %arg6[%add3A_23, %dma_wait3A] : memref<10240x128xf32, #tpu.memory_space<vmem_shared>> -> memref<80x128xf32, #tpu.memory_space<vmem_shared>>
      %dma_wait3A_47 = arith.constant 0 : i32
      %dma_wait3A_48 = tpu.memref_slice %arg6[%add3A_23, %dma_wait3A_47] : memref<10240x128xf32, #tpu.memory_space<vmem_shared>> -> memref<80x128xf32, #tpu.memory_space<vmem_shared>>
      tpu.wait_dma2 semaphore(%run_scoped3A : memref<!tpu.dma_semaphore, #tpu.memory_space<semaphore_mem>>) src(%arg9 : memref<80x128xf32, #tpu.memory_space<vmem>>) dst(%dma_wait3A_48 : memref<80x128xf32, #tpu.memory_space<vmem_shared>>)
      tpu.yield
    }) : () -> ()
    %add3A_24 = arith.constant 480 : i32
    %add3A_25 = arith.addi %mul3A_2, %add3A_24 : i32
    "tpu.region"() ({
      %run_scoped3A = tpu.sem_alloc : memref<!tpu.dma_semaphore, #tpu.memory_space<semaphore_mem>>
      %dma_start3A = arith.constant 0 : i32
      %dma_start3A_43 = tpu.memref_slice %arg6[%add3A_25, %dma_start3A] : memref<10240x128xf32, #tpu.memory_space<vmem_shared>> -> memref<80x128xf32, #tpu.memory_space<vmem_shared>>
      %dma_start3A_44 = arith.constant 0 : i32
      %dma_start3A_45 = tpu.memref_slice %arg6[%add3A_25, %dma_start3A_44] : memref<10240x128xf32, #tpu.memory_space<vmem_shared>> -> memref<80x128xf32, #tpu.memory_space<vmem_shared>>
      tpu.enqueue_dma source(%arg9 : memref<80x128xf32, #tpu.memory_space<vmem>>) target(%dma_start3A_45 : memref<80x128xf32, #tpu.memory_space<vmem_shared>>) target_semaphore(%run_scoped3A : memref<!tpu.dma_semaphore, #tpu.memory_space<semaphore_mem>>)
      %dma_wait3A = arith.constant 0 : i32
      %dma_wait3A_46 = tpu.memref_slice %arg6[%add3A_25, %dma_wait3A] : memref<10240x128xf32, #tpu.memory_space<vmem_shared>> -> memref<80x128xf32, #tpu.memory_space<vmem_shared>>
      %dma_wait3A_47 = arith.constant 0 : i32
      %dma_wait3A_48 = tpu.memref_slice %arg6[%add3A_25, %dma_wait3A_47] : memref<10240x128xf32, #tpu.memory_space<vmem_shared>> -> memref<80x128xf32, #tpu.memory_space<vmem_shared>>
      tpu.wait_dma2 semaphore(%run_scoped3A : memref<!tpu.dma_semaphore, #tpu.memory_space<semaphore_mem>>) src(%arg9 : memref<80x128xf32, #tpu.memory_space<vmem>>) dst(%dma_wait3A_48 : memref<80x128xf32, #tpu.memory_space<vmem_shared>>)
      tpu.yield
    }) : () -> ()
    %add3A_26 = arith.constant 560 : i32
    %add3A_27 = arith.addi %mul3A_2, %add3A_26 : i32
    "tpu.region"() ({
      %run_scoped3A = tpu.sem_alloc : memref<!tpu.dma_semaphore, #tpu.memory_space<semaphore_mem>>
      %dma_start3A = arith.constant 0 : i32
      %dma_start3A_43 = tpu.memref_slice %arg6[%add3A_27, %dma_start3A] : memref<10240x128xf32, #tpu.memory_space<vmem_shared>> -> memref<80x128xf32, #tpu.memory_space<vmem_shared>>
      %dma_start3A_44 = arith.constant 0 : i32
      %dma_start3A_45 = tpu.memref_slice %arg6[%add3A_27, %dma_start3A_44] : memref<10240x128xf32, #tpu.memory_space<vmem_shared>> -> memref<80x128xf32, #tpu.memory_space<vmem_shared>>
      tpu.enqueue_dma source(%arg9 : memref<80x128xf32, #tpu.memory_space<vmem>>) target(%dma_start3A_45 : memref<80x128xf32, #tpu.memory_space<vmem_shared>>) target_semaphore(%run_scoped3A : memref<!tpu.dma_semaphore, #tpu.memory_space<semaphore_mem>>)
      %dma_wait3A = arith.constant 0 : i32
      %dma_wait3A_46 = tpu.memref_slice %arg6[%add3A_27, %dma_wait3A] : memref<10240x128xf32, #tpu.memory_space<vmem_shared>> -> memref<80x128xf32, #tpu.memory_space<vmem_shared>>
      %dma_wait3A_47 = arith.constant 0 : i32
      %dma_wait3A_48 = tpu.memref_slice %arg6[%add3A_27, %dma_wait3A_47] : memref<10240x128xf32, #tpu.memory_space<vmem_shared>> -> memref<80x128xf32, #tpu.memory_space<vmem_shared>>
      tpu.wait_dma2 semaphore(%run_scoped3A : memref<!tpu.dma_semaphore, #tpu.memory_space<semaphore_mem>>) src(%arg9 : memref<80x128xf32, #tpu.memory_space<vmem>>) dst(%dma_wait3A_48 : memref<80x128xf32, #tpu.memory_space<vmem_shared>>)
      tpu.yield
    }) : () -> ()
    %barrier3A = arith.constant 0 : index
    tpu.barrier barrier_id(%barrier3A)
    %scan3A_28 = arith.constant 0 : i32
    %scan3A_29 = arith.constant 0 : i32
    %scan3A_30 = arith.constant 5 : i32
    %scan3A_31 = arith.addi %scan3A_29, %scan3A_30 : i32
    %scan3A_32 = arith.constant 1 : i32
    %scan3A_33 = scf.for %scan3A_43 = %scan3A_29 to %scan3A_31 step %scan3A_32 iter_args(%scan3A_44 = %scan3A_28) -> (i32)  : i32 {
      %mul3A_45 = arith.constant 2000 : i32
      %mul3A_46 = arith.muli %scan3A_43, %mul3A_45 : i32
      %add3A_47 = arith.addi %mul3A_4, %mul3A_46 : i32
      "tpu.region"() ({
        %run_scoped3A = tpu.sem_alloc : memref<!tpu.dma_semaphore, #tpu.memory_space<semaphore_mem>>
        %dma_start3A_73 = tpu.memref_slice %arg3[%add3A_47] : memref<320000xi32, #tpu.memory_space<hbm>> -> memref<2000xi32, #tpu.memory_space<hbm>>
        %dma_start3A_74 = tpu.memref_slice %arg3[%add3A_47] : memref<320000xi32, #tpu.memory_space<hbm>> -> memref<2000xi32, #tpu.memory_space<hbm>>
        tpu.enqueue_dma source(%dma_start3A_74 : memref<2000xi32, #tpu.memory_space<hbm>>) target(%arg7 : memref<2000xi32, #tpu.memory_space<vmem>>) target_semaphore(%run_scoped3A : memref<!tpu.dma_semaphore, #tpu.memory_space<semaphore_mem>>)
        %dma_wait3A = tpu.memref_slice %arg3[%add3A_47] : memref<320000xi32, #tpu.memory_space<hbm>> -> memref<2000xi32, #tpu.memory_space<hbm>>
        %dma_wait3A_75 = tpu.memref_slice %arg3[%add3A_47] : memref<320000xi32, #tpu.memory_space<hbm>> -> memref<2000xi32, #tpu.memory_space<hbm>>
        tpu.wait_dma2 semaphore(%run_scoped3A : memref<!tpu.dma_semaphore, #tpu.memory_space<semaphore_mem>>) src(%dma_wait3A_75 : memref<2000xi32, #tpu.memory_space<hbm>>) dst(%arg7 : memref<2000xi32, #tpu.memory_space<vmem>>)
        tpu.yield
      }) : () -> ()
      %mul3A_48 = arith.constant 2000 : i32
      %mul3A_49 = arith.muli %scan3A_43, %mul3A_48 : i32
      %add3A_50 = arith.addi %mul3A_4, %mul3A_49 : i32
      "tpu.region"() ({
        %run_scoped3A = tpu.sem_alloc : memref<!tpu.dma_semaphore, #tpu.memory_space<semaphore_mem>>
        %dma_start3A_73 = tpu.memref_slice %arg4[%add3A_50] : memref<320000xi32, #tpu.memory_space<hbm>> -> memref<2000xi32, #tpu.memory_space<hbm>>
        %dma_start3A_74 = tpu.memref_slice %arg4[%add3A_50] : memref<320000xi32, #tpu.memory_space<hbm>> -> memref<2000xi32, #tpu.memory_space<hbm>>
        tpu.enqueue_dma source(%dma_start3A_74 : memref<2000xi32, #tpu.memory_space<hbm>>) target(%arg8 : memref<2000xi32, #tpu.memory_space<vmem>>) target_semaphore(%run_scoped3A : memref<!tpu.dma_semaphore, #tpu.memory_space<semaphore_mem>>)
        %dma_wait3A = tpu.memref_slice %arg4[%add3A_50] : memref<320000xi32, #tpu.memory_space<hbm>> -> memref<2000xi32, #tpu.memory_space<hbm>>
        %dma_wait3A_75 = tpu.memref_slice %arg4[%add3A_50] : memref<320000xi32, #tpu.memory_space<hbm>> -> memref<2000xi32, #tpu.memory_space<hbm>>
        tpu.wait_dma2 semaphore(%run_scoped3A : memref<!tpu.dma_semaphore, #tpu.memory_space<semaphore_mem>>) src(%dma_wait3A_75 : memref<2000xi32, #tpu.memory_space<hbm>>) dst(%arg8 : memref<2000xi32, #tpu.memory_space<vmem>>)
        tpu.yield
      }) : () -> ()
      %dma_start3A = arith.constant 0 : i32
      %dma_start3A_51 = tpu.memref_slice %arg7[%dma_start3A] : memref<2000xi32, #tpu.memory_space<vmem>> -> memref<80xi32, #tpu.memory_space<vmem>>
      %dma_start3A_52 = arith.constant 0 : i32
      %dma_start3A_53 = arith.constant 0 : i32
      %dma_start3A_54 = tpu.memref_slice %arg2[%dma_start3A_52, %dma_start3A_53] : memref<100000x128xf32, #tpu.memory_space<hbm>> -> memref<100000x128xf32, #tpu.memory_space<hbm>>
      tpu.enqueue_indirect_dma source(%dma_start3A_54 : memref<100000x128xf32, #tpu.memory_space<hbm>>) target(%arg9 : memref<80x128xf32, #tpu.memory_space<vmem>>) offsets(%dma_start3A_51 : memref<80xi32, #tpu.memory_space<vmem>>) semaphore(%arg13 : memref<!tpu.dma_semaphore, #tpu.memory_space<semaphore_mem>>)
      %dma_start3A_55 = arith.constant 80 : i32
      %dma_start3A_56 = tpu.memref_slice %arg7[%dma_start3A_55] : memref<2000xi32, #tpu.memory_space<vmem>> -> memref<80xi32, #tpu.memory_space<vmem>>
      %dma_start3A_57 = arith.constant 0 : i32
      %dma_start3A_58 = arith.constant 0 : i32
      %dma_start3A_59 = tpu.memref_slice %arg2[%dma_start3A_57, %dma_start3A_58] : memref<100000x128xf32, #tpu.memory_space<hbm>> -> memref<100000x128xf32, #tpu.memory_space<hbm>>
      tpu.enqueue_indirect_dma source(%dma_start3A_59 : memref<100000x128xf32, #tpu.memory_space<hbm>>) target(%arg10 : memref<80x128xf32, #tpu.memory_space<vmem>>) offsets(%dma_start3A_56 : memref<80xi32, #tpu.memory_space<vmem>>) semaphore(%arg14 : memref<!tpu.dma_semaphore, #tpu.memory_space<semaphore_mem>>)
      %dma_start3A_60 = arith.constant 160 : i32
      %dma_start3A_61 = tpu.memref_slice %arg7[%dma_start3A_60] : memref<2000xi32, #tpu.memory_space<vmem>> -> memref<80xi32, #tpu.memory_space<vmem>>
      %dma_start3A_62 = arith.constant 0 : i32
      %dma_start3A_63 = arith.constant 0 : i32
      %dma_start3A_64 = tpu.memref_slice %arg2[%dma_start3A_62, %dma_start3A_63] : memref<100000x128xf32, #tpu.memory_space<hbm>> -> memref<100000x128xf32, #tpu.memory_space<hbm>>
      tpu.enqueue_indirect_dma source(%dma_start3A_64 : memref<100000x128xf32, #tpu.memory_space<hbm>>) target(%arg11 : memref<80x128xf32, #tpu.memory_space<vmem>>) offsets(%dma_start3A_61 : memref<80xi32, #tpu.memory_space<vmem>>) semaphore(%arg15 : memref<!tpu.dma_semaphore, #tpu.memory_space<semaphore_mem>>)
      %scan3A_65 = arith.constant 0 : i32
      %scan3A_66 = arith.constant 0 : i32
      %scan3A_67 = arith.constant 25 : i32
      %scan3A_68 = arith.addi %scan3A_66, %scan3A_67 : i32
      %scan3A_69 = arith.constant 1 : i32
      %scan3A_70 = scf.for %scan3A_73 = %scan3A_66 to %scan3A_68 step %scan3A_69 iter_args(%scan3A_74 = %scan3A_65) -> (i32)  : i32 {
        %jit3A = arith.constant 4 : i32
        %eq3A_75 = arith.constant 0 : i32
        %eq3A_76 = arith.cmpi eq, %jit3A, %eq3A_75 : i32
        %jit3A_77 = arith.constant 1 : i32
        %select_n3A = arith.select %eq3A_76, %jit3A_77, %jit3A : i32
        %rem3A = arith.remsi %scan3A_73, %select_n3A : i32
        %ne3A = arith.constant 0 : i32
        %ne3A_78 = arith.cmpi ne, %rem3A, %ne3A : i32
        %lt3A = arith.constant 0 : i32
        %lt3A_79 = arith.cmpi slt, %rem3A, %lt3A : i32
        %lt3A_80 = arith.constant 0 : i32
        %lt3A_81 = arith.cmpi slt, %select_n3A, %lt3A_80 : i32
        %ne3A_82 = arith.xori %lt3A_79, %lt3A_81 : i1
        %and3A = arith.andi %ne3A_82, %ne3A_78 : i1
        %add3A_83 = arith.addi %rem3A, %select_n3A : i32
        %select_n3A_84 = arith.select %and3A, %add3A_83, %rem3A : i32
        %eq3A_85 = arith.constant 0 : i32
        %eq3A_86 = arith.cmpi eq, %select_n3A_84, %eq3A_85 : i32
        %convert_element_type3A_87 = arith.extui %eq3A_86 : i1 to i32
        %cond3A_88 = arith.constant 0 : i32
        %cond3A_89 = arith.cmpi ne, %convert_element_type3A_87, %cond3A_88 : i32
        scf.if %cond3A_89 {
          %mul3A_154 = arith.constant 80 : i32
          %mul3A_155 = arith.muli %scan3A_73, %mul3A_154 : i32
          %dma_wait3A = tpu.memref_slice %arg7[%mul3A_155] : memref<2000xi32, #tpu.memory_space<vmem>> -> memref<80xi32, #tpu.memory_space<vmem>>
          %dma_wait3A_156 = arith.constant 0 : i32
          %dma_wait3A_157 = arith.constant 0 : i32
          %dma_wait3A_158 = tpu.memref_slice %arg2[%dma_wait3A_156, %dma_wait3A_157] : memref<100000x128xf32, #tpu.memory_space<hbm>> -> memref<100000x128xf32, #tpu.memory_space<hbm>>
          tpu.wait_indirect_dma semaphore(%arg13 : memref<!tpu.dma_semaphore, #tpu.memory_space<semaphore_mem>>) src(%dma_wait3A_158 : memref<100000x128xf32, #tpu.memory_space<hbm>>) dst(%arg9 : memref<80x128xf32, #tpu.memory_space<vmem>>)
          %add3A_159 = arith.constant 3 : i32
          %add3A_160 = arith.addi %scan3A_73, %add3A_159 : i32
          %lt3A_161 = arith.constant 25 : i32
          %lt3A_162 = arith.cmpi slt, %add3A_160, %lt3A_161 : i32
          %convert_element_type3A_163 = arith.extui %lt3A_162 : i1 to i32
          %cond3A_164 = arith.constant 0 : i32
          %cond3A_165 = arith.cmpi ne, %convert_element_type3A_163, %cond3A_164 : i32
          scf.if %cond3A_165 {
            %add3A_168 = arith.constant 3 : i32
            %add3A_169 = arith.addi %scan3A_73, %add3A_168 : i32
            %mul3A_170 = arith.constant 80 : i32
            %mul3A_171 = arith.muli %add3A_169, %mul3A_170 : i32
            %dma_start3A_172 = tpu.memref_slice %arg7[%mul3A_171] : memref<2000xi32, #tpu.memory_space<vmem>> -> memref<80xi32, #tpu.memory_space<vmem>>
            %dma_start3A_173 = arith.constant 0 : i32
            %dma_start3A_174 = arith.constant 0 : i32
            %dma_start3A_175 = tpu.memref_slice %arg2[%dma_start3A_173, %dma_start3A_174] : memref<100000x128xf32, #tpu.memory_space<hbm>> -> memref<100000x128xf32, #tpu.memory_space<hbm>>
            tpu.enqueue_indirect_dma source(%dma_start3A_175 : memref<100000x128xf32, #tpu.memory_space<hbm>>) target(%arg12 : memref<80x128xf32, #tpu.memory_space<vmem>>) offsets(%dma_start3A_172 : memref<80xi32, #tpu.memory_space<vmem>>) semaphore(%arg16 : memref<!tpu.dma_semaphore, #tpu.memory_space<semaphore_mem>>)
          } else {
          }
          %mul3A_166 = arith.constant 80 : i32
          %mul3A_167 = arith.muli %scan3A_73, %mul3A_166 : i32
          "tpu.region"() ({
            %run_scoped3A = tpu.sem_alloc : memref<!tpu.dma_semaphore, #tpu.memory_space<semaphore_mem>>
            %dma_start3A_168 = tpu.memref_slice %arg8[%mul3A_167] : memref<2000xi32, #tpu.memory_space<vmem>> -> memref<80xi32, #tpu.memory_space<vmem>>
            %dma_start3A_169 = arith.constant 0 : i32
            %dma_start3A_170 = arith.constant 0 : i32
            %dma_start3A_171 = tpu.memref_slice %arg6[%dma_start3A_169, %dma_start3A_170] : memref<10240x128xf32, #tpu.memory_space<vmem_shared>> -> memref<10240x128xf32, #tpu.memory_space<vmem_shared>>
            tpu.enqueue_indirect_dma source(%arg9 : memref<80x128xf32, #tpu.memory_space<vmem>>) target(%dma_start3A_171 : memref<10240x128xf32, #tpu.memory_space<vmem_shared>>) offsets(%dma_start3A_168 : memref<80xi32, #tpu.memory_space<vmem>>) semaphore(%run_scoped3A : memref<!tpu.dma_semaphore, #tpu.memory_space<semaphore_mem>>) {add = true}
            %dma_wait3A_172 = tpu.memref_slice %arg8[%mul3A_167] : memref<2000xi32, #tpu.memory_space<vmem>> -> memref<80xi32, #tpu.memory_space<vmem>>
            %dma_wait3A_173 = arith.constant 0 : i32
            %dma_wait3A_174 = arith.constant 0 : i32
            %dma_wait3A_175 = tpu.memref_slice %arg6[%dma_wait3A_173, %dma_wait3A_174] : memref<10240x128xf32, #tpu.memory_space<vmem_shared>> -> memref<10240x128xf32, #tpu.memory_space<vmem_shared>>
            tpu.wait_indirect_dma semaphore(%run_scoped3A : memref<!tpu.dma_semaphore, #tpu.memory_space<semaphore_mem>>) src(%arg9 : memref<80x128xf32, #tpu.memory_space<vmem>>) dst(%dma_wait3A_175 : memref<10240x128xf32, #tpu.memory_space<vmem_shared>>)
            tpu.yield
          }) : () -> ()
        } else {
        }
        %jit3A_90 = arith.constant 4 : i32
        %eq3A_91 = arith.constant 0 : i32
        %eq3A_92 = arith.cmpi eq, %jit3A_90, %eq3A_91 : i32
        %jit3A_93 = arith.constant 1 : i32
        %select_n3A_94 = arith.select %eq3A_92, %jit3A_93, %jit3A_90 : i32
        %rem3A_95 = arith.remsi %scan3A_73, %select_n3A_94 : i32
        %ne3A_96 = arith.constant 0 : i32
        %ne3A_97 = arith.cmpi ne, %rem3A_95, %ne3A_96 : i32
        %lt3A_98 = arith.constant 0 : i32
        %lt3A_99 = arith.cmpi slt, %rem3A_95, %lt3A_98 : i32
        %lt3A_100 = arith.constant 0 : i32
        %lt3A_101 = arith.cmpi slt, %select_n3A_94, %lt3A_100 : i32
        %ne3A_102 = arith.xori %lt3A_99, %lt3A_101 : i1
        %and3A_103 = arith.andi %ne3A_102, %ne3A_97 : i1
        %add3A_104 = arith.addi %rem3A_95, %select_n3A_94 : i32
        %select_n3A_105 = arith.select %and3A_103, %add3A_104, %rem3A_95 : i32
        %eq3A_106 = arith.constant 1 : i32
        %eq3A_107 = arith.cmpi eq, %select_n3A_105, %eq3A_106 : i32
        %convert_element_type3A_108 = arith.extui %eq3A_107 : i1 to i32
        %cond3A_109 = arith.constant 0 : i32
        %cond3A_110 = arith.cmpi ne, %convert_element_type3A_108, %cond3A_109 : i32
        scf.if %cond3A_110 {
          %mul3A_154 = arith.constant 80 : i32
          %mul3A_155 = arith.muli %scan3A_73, %mul3A_154 : i32
          %dma_wait3A = tpu.memref_slice %arg7[%mul3A_155] : memref<2000xi32, #tpu.memory_space<vmem>> -> memref<80xi32, #tpu.memory_space<vmem>>
          %dma_wait3A_156 = arith.constant 0 : i32
          %dma_wait3A_157 = arith.constant 0 : i32
          %dma_wait3A_158 = tpu.memref_slice %arg2[%dma_wait3A_156, %dma_wait3A_157] : memref<100000x128xf32, #tpu.memory_space<hbm>> -> memref<100000x128xf32, #tpu.memory_space<hbm>>
          tpu.wait_indirect_dma semaphore(%arg14 : memref<!tpu.dma_semaphore, #tpu.memory_space<semaphore_mem>>) src(%dma_wait3A_158 : memref<100000x128xf32, #tpu.memory_space<hbm>>) dst(%arg10 : memref<80x128xf32, #tpu.memory_space<vmem>>)
          %add3A_159 = arith.constant 3 : i32
          %add3A_160 = arith.addi %scan3A_73, %add3A_159 : i32
          %lt3A_161 = arith.constant 25 : i32
          %lt3A_162 = arith.cmpi slt, %add3A_160, %lt3A_161 : i32
          %convert_element_type3A_163 = arith.extui %lt3A_162 : i1 to i32
          %cond3A_164 = arith.constant 0 : i32
          %cond3A_165 = arith.cmpi ne, %convert_element_type3A_163, %cond3A_164 : i32
          scf.if %cond3A_165 {
            %add3A_168 = arith.constant 3 : i32
            %add3A_169 = arith.addi %scan3A_73, %add3A_168 : i32
            %mul3A_170 = arith.constant 80 : i32
            %mul3A_171 = arith.muli %add3A_169, %mul3A_170 : i32
            %dma_start3A_172 = tpu.memref_slice %arg7[%mul3A_171] : memref<2000xi32, #tpu.memory_space<vmem>> -> memref<80xi32, #tpu.memory_space<vmem>>
            %dma_start3A_173 = arith.constant 0 : i32
            %dma_start3A_174 = arith.constant 0 : i32
            %dma_start3A_175 = tpu.memref_slice %arg2[%dma_start3A_173, %dma_start3A_174] : memref<100000x128xf32, #tpu.memory_space<hbm>> -> memref<100000x128xf32, #tpu.memory_space<hbm>>
            tpu.enqueue_indirect_dma source(%dma_start3A_175 : memref<100000x128xf32, #tpu.memory_space<hbm>>) target(%arg9 : memref<80x128xf32, #tpu.memory_space<vmem>>) offsets(%dma_start3A_172 : memref<80xi32, #tpu.memory_space<vmem>>) semaphore(%arg13 : memref<!tpu.dma_semaphore, #tpu.memory_space<semaphore_mem>>)
          } else {
          }
          %mul3A_166 = arith.constant 80 : i32
          %mul3A_167 = arith.muli %scan3A_73, %mul3A_166 : i32
          "tpu.region"() ({
            %run_scoped3A = tpu.sem_alloc : memref<!tpu.dma_semaphore, #tpu.memory_space<semaphore_mem>>
            %dma_start3A_168 = tpu.memref_slice %arg8[%mul3A_167] : memref<2000xi32, #tpu.memory_space<vmem>> -> memref<80xi32, #tpu.memory_space<vmem>>
            %dma_start3A_169 = arith.constant 0 : i32
            %dma_start3A_170 = arith.constant 0 : i32
            %dma_start3A_171 = tpu.memref_slice %arg6[%dma_start3A_169, %dma_start3A_170] : memref<10240x128xf32, #tpu.memory_space<vmem_shared>> -> memref<10240x128xf32, #tpu.memory_space<vmem_shared>>
            tpu.enqueue_indirect_dma source(%arg10 : memref<80x128xf32, #tpu.memory_space<vmem>>) target(%dma_start3A_171 : memref<10240x128xf32, #tpu.memory_space<vmem_shared>>) offsets(%dma_start3A_168 : memref<80xi32, #tpu.memory_space<vmem>>) semaphore(%run_scoped3A : memref<!tpu.dma_semaphore, #tpu.memory_space<semaphore_mem>>) {add = true}
            %dma_wait3A_172 = tpu.memref_slice %arg8[%mul3A_167] : memref<2000xi32, #tpu.memory_space<vmem>> -> memref<80xi32, #tpu.memory_space<vmem>>
            %dma_wait3A_173 = arith.constant 0 : i32
            %dma_wait3A_174 = arith.constant 0 : i32
            %dma_wait3A_175 = tpu.memref_slice %arg6[%dma_wait3A_173, %dma_wait3A_174] : memref<10240x128xf32, #tpu.memory_space<vmem_shared>> -> memref<10240x128xf32, #tpu.memory_space<vmem_shared>>
            tpu.wait_indirect_dma semaphore(%run_scoped3A : memref<!tpu.dma_semaphore, #tpu.memory_space<semaphore_mem>>) src(%arg10 : memref<80x128xf32, #tpu.memory_space<vmem>>) dst(%dma_wait3A_175 : memref<10240x128xf32, #tpu.memory_space<vmem_shared>>)
            tpu.yield
          }) : () -> ()
        } else {
        }
        %jit3A_111 = arith.constant 4 : i32
        %eq3A_112 = arith.constant 0 : i32
        %eq3A_113 = arith.cmpi eq, %jit3A_111, %eq3A_112 : i32
        %jit3A_114 = arith.constant 1 : i32
        %select_n3A_115 = arith.select %eq3A_113, %jit3A_114, %jit3A_111 : i32
        %rem3A_116 = arith.remsi %scan3A_73, %select_n3A_115 : i32
        %ne3A_117 = arith.constant 0 : i32
        %ne3A_118 = arith.cmpi ne, %rem3A_116, %ne3A_117 : i32
        %lt3A_119 = arith.constant 0 : i32
        %lt3A_120 = arith.cmpi slt, %rem3A_116, %lt3A_119 : i32
        %lt3A_121 = arith.constant 0 : i32
        %lt3A_122 = arith.cmpi slt, %select_n3A_115, %lt3A_121 : i32
        %ne3A_123 = arith.xori %lt3A_120, %lt3A_122 : i1
        %and3A_124 = arith.andi %ne3A_123, %ne3A_118 : i1
        %add3A_125 = arith.addi %rem3A_116, %select_n3A_115 : i32
        %select_n3A_126 = arith.select %and3A_124, %add3A_125, %rem3A_116 : i32
        %eq3A_127 = arith.constant 2 : i32
        %eq3A_128 = arith.cmpi eq, %select_n3A_126, %eq3A_127 : i32
        %convert_element_type3A_129 = arith.extui %eq3A_128 : i1 to i32
        %cond3A_130 = arith.constant 0 : i32
        %cond3A_131 = arith.cmpi ne, %convert_element_type3A_129, %cond3A_130 : i32
        scf.if %cond3A_131 {
          %mul3A_154 = arith.constant 80 : i32
          %mul3A_155 = arith.muli %scan3A_73, %mul3A_154 : i32
          %dma_wait3A = tpu.memref_slice %arg7[%mul3A_155] : memref<2000xi32, #tpu.memory_space<vmem>> -> memref<80xi32, #tpu.memory_space<vmem>>
          %dma_wait3A_156 = arith.constant 0 : i32
          %dma_wait3A_157 = arith.constant 0 : i32
          %dma_wait3A_158 = tpu.memref_slice %arg2[%dma_wait3A_156, %dma_wait3A_157] : memref<100000x128xf32, #tpu.memory_space<hbm>> -> memref<100000x128xf32, #tpu.memory_space<hbm>>
          tpu.wait_indirect_dma semaphore(%arg15 : memref<!tpu.dma_semaphore, #tpu.memory_space<semaphore_mem>>) src(%dma_wait3A_158 : memref<100000x128xf32, #tpu.memory_space<hbm>>) dst(%arg11 : memref<80x128xf32, #tpu.memory_space<vmem>>)
          %add3A_159 = arith.constant 3 : i32
          %add3A_160 = arith.addi %scan3A_73, %add3A_159 : i32
          %lt3A_161 = arith.constant 25 : i32
          %lt3A_162 = arith.cmpi slt, %add3A_160, %lt3A_161 : i32
          %convert_element_type3A_163 = arith.extui %lt3A_162 : i1 to i32
          %cond3A_164 = arith.constant 0 : i32
          %cond3A_165 = arith.cmpi ne, %convert_element_type3A_163, %cond3A_164 : i32
          scf.if %cond3A_165 {
            %add3A_168 = arith.constant 3 : i32
            %add3A_169 = arith.addi %scan3A_73, %add3A_168 : i32
            %mul3A_170 = arith.constant 80 : i32
            %mul3A_171 = arith.muli %add3A_169, %mul3A_170 : i32
            %dma_start3A_172 = tpu.memref_slice %arg7[%mul3A_171] : memref<2000xi32, #tpu.memory_space<vmem>> -> memref<80xi32, #tpu.memory_space<vmem>>
            %dma_start3A_173 = arith.constant 0 : i32
            %dma_start3A_174 = arith.constant 0 : i32
            %dma_start3A_175 = tpu.memref_slice %arg2[%dma_start3A_173, %dma_start3A_174] : memref<100000x128xf32, #tpu.memory_space<hbm>> -> memref<100000x128xf32, #tpu.memory_space<hbm>>
            tpu.enqueue_indirect_dma source(%dma_start3A_175 : memref<100000x128xf32, #tpu.memory_space<hbm>>) target(%arg10 : memref<80x128xf32, #tpu.memory_space<vmem>>) offsets(%dma_start3A_172 : memref<80xi32, #tpu.memory_space<vmem>>) semaphore(%arg14 : memref<!tpu.dma_semaphore, #tpu.memory_space<semaphore_mem>>)
          } else {
          }
          %mul3A_166 = arith.constant 80 : i32
          %mul3A_167 = arith.muli %scan3A_73, %mul3A_166 : i32
          "tpu.region"() ({
            %run_scoped3A = tpu.sem_alloc : memref<!tpu.dma_semaphore, #tpu.memory_space<semaphore_mem>>
            %dma_start3A_168 = tpu.memref_slice %arg8[%mul3A_167] : memref<2000xi32, #tpu.memory_space<vmem>> -> memref<80xi32, #tpu.memory_space<vmem>>
            %dma_start3A_169 = arith.constant 0 : i32
            %dma_start3A_170 = arith.constant 0 : i32
            %dma_start3A_171 = tpu.memref_slice %arg6[%dma_start3A_169, %dma_start3A_170] : memref<10240x128xf32, #tpu.memory_space<vmem_shared>> -> memref<10240x128xf32, #tpu.memory_space<vmem_shared>>
            tpu.enqueue_indirect_dma source(%arg11 : memref<80x128xf32, #tpu.memory_space<vmem>>) target(%dma_start3A_171 : memref<10240x128xf32, #tpu.memory_space<vmem_shared>>) offsets(%dma_start3A_168 : memref<80xi32, #tpu.memory_space<vmem>>) semaphore(%run_scoped3A : memref<!tpu.dma_semaphore, #tpu.memory_space<semaphore_mem>>) {add = true}
            %dma_wait3A_172 = tpu.memref_slice %arg8[%mul3A_167] : memref<2000xi32, #tpu.memory_space<vmem>> -> memref<80xi32, #tpu.memory_space<vmem>>
            %dma_wait3A_173 = arith.constant 0 : i32
            %dma_wait3A_174 = arith.constant 0 : i32
            %dma_wait3A_175 = tpu.memref_slice %arg6[%dma_wait3A_173, %dma_wait3A_174] : memref<10240x128xf32, #tpu.memory_space<vmem_shared>> -> memref<10240x128xf32, #tpu.memory_space<vmem_shared>>
            tpu.wait_indirect_dma semaphore(%run_scoped3A : memref<!tpu.dma_semaphore, #tpu.memory_space<semaphore_mem>>) src(%arg11 : memref<80x128xf32, #tpu.memory_space<vmem>>) dst(%dma_wait3A_175 : memref<10240x128xf32, #tpu.memory_space<vmem_shared>>)
            tpu.yield
          }) : () -> ()
        } else {
        }
        %jit3A_132 = arith.constant 4 : i32
        %eq3A_133 = arith.constant 0 : i32
        %eq3A_134 = arith.cmpi eq, %jit3A_132, %eq3A_133 : i32
        %jit3A_135 = arith.constant 1 : i32
        %select_n3A_136 = arith.select %eq3A_134, %jit3A_135, %jit3A_132 : i32
        %rem3A_137 = arith.remsi %scan3A_73, %select_n3A_136 : i32
        %ne3A_138 = arith.constant 0 : i32
        %ne3A_139 = arith.cmpi ne, %rem3A_137, %ne3A_138 : i32
        %lt3A_140 = arith.constant 0 : i32
        %lt3A_141 = arith.cmpi slt, %rem3A_137, %lt3A_140 : i32
        %lt3A_142 = arith.constant 0 : i32
        %lt3A_143 = arith.cmpi slt, %select_n3A_136, %lt3A_142 : i32
        %ne3A_144 = arith.xori %lt3A_141, %lt3A_143 : i1
        %and3A_145 = arith.andi %ne3A_144, %ne3A_139 : i1
        %add3A_146 = arith.addi %rem3A_137, %select_n3A_136 : i32
        %select_n3A_147 = arith.select %and3A_145, %add3A_146, %rem3A_137 : i32
        %eq3A_148 = arith.constant 3 : i32
        %eq3A_149 = arith.cmpi eq, %select_n3A_147, %eq3A_148 : i32
        %convert_element_type3A_150 = arith.extui %eq3A_149 : i1 to i32
        %cond3A_151 = arith.constant 0 : i32
        %cond3A_152 = arith.cmpi ne, %convert_element_type3A_150, %cond3A_151 : i32
        scf.if %cond3A_152 {
          %mul3A_154 = arith.constant 80 : i32
          %mul3A_155 = arith.muli %scan3A_73, %mul3A_154 : i32
          %dma_wait3A = tpu.memref_slice %arg7[%mul3A_155] : memref<2000xi32, #tpu.memory_space<vmem>> -> memref<80xi32, #tpu.memory_space<vmem>>
          %dma_wait3A_156 = arith.constant 0 : i32
          %dma_wait3A_157 = arith.constant 0 : i32
          %dma_wait3A_158 = tpu.memref_slice %arg2[%dma_wait3A_156, %dma_wait3A_157] : memref<100000x128xf32, #tpu.memory_space<hbm>> -> memref<100000x128xf32, #tpu.memory_space<hbm>>
          tpu.wait_indirect_dma semaphore(%arg16 : memref<!tpu.dma_semaphore, #tpu.memory_space<semaphore_mem>>) src(%dma_wait3A_158 : memref<100000x128xf32, #tpu.memory_space<hbm>>) dst(%arg12 : memref<80x128xf32, #tpu.memory_space<vmem>>)
          %add3A_159 = arith.constant 3 : i32
          %add3A_160 = arith.addi %scan3A_73, %add3A_159 : i32
          %lt3A_161 = arith.constant 25 : i32
          %lt3A_162 = arith.cmpi slt, %add3A_160, %lt3A_161 : i32
          %convert_element_type3A_163 = arith.extui %lt3A_162 : i1 to i32
          %cond3A_164 = arith.constant 0 : i32
          %cond3A_165 = arith.cmpi ne, %convert_element_type3A_163, %cond3A_164 : i32
          scf.if %cond3A_165 {
            %add3A_168 = arith.constant 3 : i32
            %add3A_169 = arith.addi %scan3A_73, %add3A_168 : i32
            %mul3A_170 = arith.constant 80 : i32
            %mul3A_171 = arith.muli %add3A_169, %mul3A_170 : i32
            %dma_start3A_172 = tpu.memref_slice %arg7[%mul3A_171] : memref<2000xi32, #tpu.memory_space<vmem>> -> memref<80xi32, #tpu.memory_space<vmem>>
            %dma_start3A_173 = arith.constant 0 : i32
            %dma_start3A_174 = arith.constant 0 : i32
            %dma_start3A_175 = tpu.memref_slice %arg2[%dma_start3A_173, %dma_start3A_174] : memref<100000x128xf32, #tpu.memory_space<hbm>> -> memref<100000x128xf32, #tpu.memory_space<hbm>>
            tpu.enqueue_indirect_dma source(%dma_start3A_175 : memref<100000x128xf32, #tpu.memory_space<hbm>>) target(%arg11 : memref<80x128xf32, #tpu.memory_space<vmem>>) offsets(%dma_start3A_172 : memref<80xi32, #tpu.memory_space<vmem>>) semaphore(%arg15 : memref<!tpu.dma_semaphore, #tpu.memory_space<semaphore_mem>>)
          } else {
          }
          %mul3A_166 = arith.constant 80 : i32
          %mul3A_167 = arith.muli %scan3A_73, %mul3A_166 : i32
          "tpu.region"() ({
            %run_scoped3A = tpu.sem_alloc : memref<!tpu.dma_semaphore, #tpu.memory_space<semaphore_mem>>
            %dma_start3A_168 = tpu.memref_slice %arg8[%mul3A_167] : memref<2000xi32, #tpu.memory_space<vmem>> -> memref<80xi32, #tpu.memory_space<vmem>>
            %dma_start3A_169 = arith.constant 0 : i32
            %dma_start3A_170 = arith.constant 0 : i32
            %dma_start3A_171 = tpu.memref_slice %arg6[%dma_start3A_169, %dma_start3A_170] : memref<10240x128xf32, #tpu.memory_space<vmem_shared>> -> memref<10240x128xf32, #tpu.memory_space<vmem_shared>>
            tpu.enqueue_indirect_dma source(%arg12 : memref<80x128xf32, #tpu.memory_space<vmem>>) target(%dma_start3A_171 : memref<10240x128xf32, #tpu.memory_space<vmem_shared>>) offsets(%dma_start3A_168 : memref<80xi32, #tpu.memory_space<vmem>>) semaphore(%run_scoped3A : memref<!tpu.dma_semaphore, #tpu.memory_space<semaphore_mem>>) {add = true}
            %dma_wait3A_172 = tpu.memref_slice %arg8[%mul3A_167] : memref<2000xi32, #tpu.memory_space<vmem>> -> memref<80xi32, #tpu.memory_space<vmem>>
            %dma_wait3A_173 = arith.constant 0 : i32
            %dma_wait3A_174 = arith.constant 0 : i32
            %dma_wait3A_175 = tpu.memref_slice %arg6[%dma_wait3A_173, %dma_wait3A_174] : memref<10240x128xf32, #tpu.memory_space<vmem_shared>> -> memref<10240x128xf32, #tpu.memory_space<vmem_shared>>
            tpu.wait_indirect_dma semaphore(%run_scoped3A : memref<!tpu.dma_semaphore, #tpu.memory_space<semaphore_mem>>) src(%arg12 : memref<80x128xf32, #tpu.memory_space<vmem>>) dst(%dma_wait3A_175 : memref<10240x128xf32, #tpu.memory_space<vmem_shared>>)
            tpu.yield
          }) : () -> ()
        } else {
        }
        %scan3A_153 = arith.constant 0 : i32
        scf.yield %scan3A_153 : i32
      }
      %scan3A_71 = arith.constant 25 : i32
      %scan3A_72 = arith.constant 0 : i32
      scf.yield %scan3A_72 : i32
    }
    %scan3A_34 = arith.constant 5 : i32
    %barrier3A_35 = arith.constant 0 : index
    tpu.barrier barrier_id(%barrier3A_35)
    %eq3A = arith.constant 0 : i32
    %eq3A_36 = arith.cmpi eq, %arg0, %eq3A : i32
    %convert_element_type3A = arith.extui %eq3A_36 : i1 to i32
    %cond3A = arith.constant 0 : i32
    %cond3A_37 = arith.cmpi ne, %convert_element_type3A, %cond3A : i32
    scf.if %cond3A_37 {
      %run_scoped3A = arith.constant 0 : i32
      "tpu.region"() ({
        %run_scoped3A_43 = tpu.sem_alloc : memref<!tpu.dma_semaphore, #tpu.memory_space<semaphore_mem>>
        %dma_start3A = arith.constant 0 : i32
        %dma_start3A_44 = tpu.memref_slice %arg5[%run_scoped3A, %mul3A_2, %dma_start3A] : memref<2x10240x128xf32, #tpu.memory_space<hbm>> -> memref<1x640x128xf32, #tpu.memory_space<hbm>>
        %dma_start3A_45 = tpu.memref_squeeze %dma_start3A_44 : memref<1x640x128xf32, #tpu.memory_space<hbm>> -> memref<640x128xf32, #tpu.memory_space<hbm>>
        %dma_start3A_46 = arith.constant 0 : i32
        %dma_start3A_47 = tpu.memref_slice %arg6[%mul3A_2, %dma_start3A_46] : memref<10240x128xf32, #tpu.memory_space<vmem_shared>> -> memref<640x128xf32, #tpu.memory_space<vmem_shared>>
        tpu.enqueue_dma source(%dma_start3A_47 : memref<640x128xf32, #tpu.memory_space<vmem_shared>>) target(%dma_start3A_45 : memref<640x128xf32, #tpu.memory_space<hbm>>) target_semaphore(%run_scoped3A_43 : memref<!tpu.dma_semaphore, #tpu.memory_space<semaphore_mem>>)
        %dma_wait3A = arith.constant 0 : i32
        %dma_wait3A_48 = tpu.memref_slice %arg5[%run_scoped3A, %mul3A_2, %dma_wait3A] : memref<2x10240x128xf32, #tpu.memory_space<hbm>> -> memref<1x640x128xf32, #tpu.memory_space<hbm>>
        %dma_wait3A_49 = tpu.memref_squeeze %dma_wait3A_48 : memref<1x640x128xf32, #tpu.memory_space<hbm>> -> memref<640x128xf32, #tpu.memory_space<hbm>>
        %dma_wait3A_50 = arith.constant 0 : i32
        %dma_wait3A_51 = tpu.memref_slice %arg6[%mul3A_2, %dma_wait3A_50] : memref<10240x128xf32, #tpu.memory_space<vmem_shared>> -> memref<640x128xf32, #tpu.memory_space<vmem_shared>>
        tpu.wait_dma2 semaphore(%run_scoped3A_43 : memref<!tpu.dma_semaphore, #tpu.memory_space<semaphore_mem>>) src(%dma_wait3A_51 : memref<640x128xf32, #tpu.memory_space<vmem_shared>>) dst(%dma_wait3A_49 : memref<640x128xf32, #tpu.memory_space<hbm>>)
        tpu.yield
      }) : () -> ()
    } else {
    }
    %eq3A_38 = arith.constant 1 : i32
    %eq3A_39 = arith.cmpi eq, %arg0, %eq3A_38 : i32
    %convert_element_type3A_40 = arith.extui %eq3A_39 : i1 to i32
    %cond3A_41 = arith.constant 0 : i32
    %cond3A_42 = arith.cmpi ne, %convert_element_type3A_40, %cond3A_41 : i32
    scf.if %cond3A_42 {
      %run_scoped3A = arith.constant 1 : i32
      "tpu.region"() ({
        %run_scoped3A_43 = tpu.sem_alloc : memref<!tpu.dma_semaphore, #tpu.memory_space<semaphore_mem>>
        %dma_start3A = arith.constant 0 : i32
        %dma_start3A_44 = tpu.memref_slice %arg5[%run_scoped3A, %mul3A_2, %dma_start3A] : memref<2x10240x128xf32, #tpu.memory_space<hbm>> -> memref<1x640x128xf32, #tpu.memory_space<hbm>>
        %dma_start3A_45 = tpu.memref_squeeze %dma_start3A_44 : memref<1x640x128xf32, #tpu.memory_space<hbm>> -> memref<640x128xf32, #tpu.memory_space<hbm>>
        %dma_start3A_46 = arith.constant 0 : i32
        %dma_start3A_47 = tpu.memref_slice %arg6[%mul3A_2, %dma_start3A_46] : memref<10240x128xf32, #tpu.memory_space<vmem_shared>> -> memref<640x128xf32, #tpu.memory_space<vmem_shared>>
        tpu.enqueue_dma source(%dma_start3A_47 : memref<640x128xf32, #tpu.memory_space<vmem_shared>>) target(%dma_start3A_45 : memref<640x128xf32, #tpu.memory_space<hbm>>) target_semaphore(%run_scoped3A_43 : memref<!tpu.dma_semaphore, #tpu.memory_space<semaphore_mem>>)
        %dma_wait3A = arith.constant 0 : i32
        %dma_wait3A_48 = tpu.memref_slice %arg5[%run_scoped3A, %mul3A_2, %dma_wait3A] : memref<2x10240x128xf32, #tpu.memory_space<hbm>> -> memref<1x640x128xf32, #tpu.memory_space<hbm>>
        %dma_wait3A_49 = tpu.memref_squeeze %dma_wait3A_48 : memref<1x640x128xf32, #tpu.memory_space<hbm>> -> memref<640x128xf32, #tpu.memory_space<hbm>>
        %dma_wait3A_50 = arith.constant 0 : i32
        %dma_wait3A_51 = tpu.memref_slice %arg6[%mul3A_2, %dma_wait3A_50] : memref<10240x128xf32, #tpu.memory_space<vmem_shared>> -> memref<640x128xf32, #tpu.memory_space<vmem_shared>>
        tpu.wait_dma2 semaphore(%run_scoped3A_43 : memref<!tpu.dma_semaphore, #tpu.memory_space<semaphore_mem>>) src(%dma_wait3A_51 : memref<640x128xf32, #tpu.memory_space<vmem_shared>>) dst(%dma_wait3A_49 : memref<640x128xf32, #tpu.memory_space<hbm>>)
        tpu.yield
      }) : () -> ()
    } else {
    }
    return
  }
}

module attributes {stable_mosaic.version = 14 : i64} {
  func.func @_gidx_body(%arg0: memref<2x2500x128xi32, #tpu.memory_space<vmem>>, %arg1: memref<2500x128xi32, #tpu.memory_space<vmem>>, %arg2: memref<2500x128xi32, #tpu.memory_space<vmem>>, %arg3: memref<2500x128xi32, #tpu.memory_space<vmem>>, %arg4: memref<2500x128xi32, #tpu.memory_space<vmem>>) attributes {dimension_semantics = [], scalar_prefetch = 0 : i64, scratch_operands = 0 : i64, tpu.core_type = #tpu.core_type<tc>} {
    %get3A = arith.constant 0 : index
    %get3A_0 = arith.constant 0 : index
    %get3A_1 = arith.constant 0 : index
    %get3A_2 = vector.load %arg0[%get3A, %get3A_0, %get3A_1] : memref<2x2500x128xi32, #tpu.memory_space<vmem>>, vector<1x2500x128xi32>
    %get3A_3 = vector.shape_cast %get3A_2 : vector<1x2500x128xi32> to vector<2500x128xi32>
    %get3A_4 = arith.constant 0 : index
    %get3A_5 = arith.constant 0 : index
    %get3A_6 = vector.load %arg1[%get3A_4, %get3A_5] : memref<2500x128xi32, #tpu.memory_space<vmem>>, vector<2500x128xi32>
    %mul3A = arith.constant 10000 : i32
    %mul3A_7 = vector.broadcast %mul3A : i32 to vector<2500x128xi32>
    %mul3A_8 = arith.muli %get3A_6, %mul3A_7 : vector<2500x128xi32>
    %add3A = arith.addi %mul3A_8, %get3A_3 : vector<2500x128xi32>
    %swap3A = arith.constant 0 : index
    %swap3A_9 = arith.constant 0 : index
    %swap3A_10 = vector.load %arg2[%swap3A, %swap3A_9] : memref<2500x128xi32, #tpu.memory_space<vmem>>, vector<2500x128xi32>
    tpu.vector_store %arg2[%swap3A, %swap3A_9], %add3A {strides = array<i32>} : memref<2500x128xi32, #tpu.memory_space<vmem>>, vector<2500x128xi32>,
    %swap3A_11 = arith.constant 0 : index
    %swap3A_12 = arith.constant 0 : index
    %swap3A_13 = vector.load %arg3[%swap3A_11, %swap3A_12] : memref<2500x128xi32, #tpu.memory_space<vmem>>, vector<2500x128xi32>
    tpu.vector_store %arg3[%swap3A_11, %swap3A_12], %get3A_3 {strides = array<i32>} : memref<2500x128xi32, #tpu.memory_space<vmem>>, vector<2500x128xi32>,
    %get3A_14 = arith.constant 1 : index
    %get3A_15 = arith.constant 0 : index
    %get3A_16 = arith.constant 0 : index
    %get3A_17 = vector.load %arg0[%get3A_14, %get3A_15, %get3A_16] : memref<2x2500x128xi32, #tpu.memory_space<vmem>>, vector<1x2500x128xi32>
    %get3A_18 = vector.shape_cast %get3A_17 : vector<1x2500x128xi32> to vector<2500x128xi32>
    %swap3A_19 = arith.constant 0 : index
    %swap3A_20 = arith.constant 0 : index
    %swap3A_21 = vector.load %arg4[%swap3A_19, %swap3A_20] : memref<2500x128xi32, #tpu.memory_space<vmem>>, vector<2500x128xi32>
    tpu.vector_store %arg4[%swap3A_19, %swap3A_20], %get3A_18 {strides = array<i32>} : memref<2500x128xi32, #tpu.memory_space<vmem>>, vector<2500x128xi32>,
    return
  }
}

module attributes {stable_mosaic.version = 14 : i64} {
  func.func @_final_body(%arg0: i32, %arg1: memref<2x1000x128xf32, #tpu.memory_space<vmem>>, %arg2: memref<1000x128xf32, #tpu.memory_space<vmem>>, %arg3: memref<1x128xf32, #tpu.memory_space<vmem>>, %arg4: memref<1000x128xf32, #tpu.memory_space<vmem>>) attributes {dimension_semantics = [#tpu.dimension_semantics<arbitrary>], iteration_bounds = array<i64: 10>, scalar_prefetch = 0 : i64, scratch_operands = 0 : i64, tpu.core_type = #tpu.core_type<tc>, window_params = [{transform_indices = @transform_0, window_bounds = array<i64: 2, 1000, 128>}, {transform_indices = @transform_1, window_bounds = array<i64: 1000, 128>}, {pipeline_mode = #tpu.pipeline_mode<synchronous>, transform_indices = @transform_2, window_bounds = array<i64: 1, 128>}, {transform_indices = @transform_3, window_bounds = array<i64: 1000, 128>}]} {
    %get3A = arith.constant 0 : index
    %get3A_0 = arith.constant 0 : index
    %get3A_1 = arith.constant 0 : index
    %get3A_2 = vector.load %arg1[%get3A, %get3A_0, %get3A_1] : memref<2x1000x128xf32, #tpu.memory_space<vmem>>, vector<1x1000x128xf32>
    %get3A_3 = vector.shape_cast %get3A_2 : vector<1x1000x128xf32> to vector<1000x128xf32>
    %get3A_4 = arith.constant 1 : index
    %get3A_5 = arith.constant 0 : index
    %get3A_6 = arith.constant 0 : index
    %get3A_7 = vector.load %arg1[%get3A_4, %get3A_5, %get3A_6] : memref<2x1000x128xf32, #tpu.memory_space<vmem>>, vector<1x1000x128xf32>
    %get3A_8 = vector.shape_cast %get3A_7 : vector<1x1000x128xf32> to vector<1000x128xf32>
    %add3A = arith.addf %get3A_3, %get3A_8 : vector<1000x128xf32>
    %get3A_9 = arith.constant 0 : index
    %get3A_10 = arith.constant 0 : index
    %get3A_11 = vector.load %arg2[%get3A_9, %get3A_10] : memref<1000x128xf32, #tpu.memory_space<vmem>>, vector<1000x1xf32>
    %max3A = arith.constant 1.000000e+00 : f32
    %max3A_12 = vector.broadcast %max3A : f32 to vector<1000x1xf32>
    %max3A_13 = arith.maximumf %get3A_11, %max3A_12 : vector<1000x1xf32>
    %sqrt3A = math.sqrt %max3A_13 : vector<1000x1xf32>
    %div3A = arith.constant 1.000000e+00 : f32
    %div3A_14 = vector.broadcast %div3A : f32 to vector<1000x1xf32>
    %div3A_15 = arith.divf %div3A_14, %sqrt3A : vector<1000x1xf32>
    %mul3A = vector.broadcast %div3A_15 : vector<1000x1xf32> to vector<1000x128xf32>
    %mul3A_16 = arith.mulf %add3A, %mul3A : vector<1000x128xf32>
    %get3A_17 = arith.constant 0 : index
    %get3A_18 = arith.constant 0 : index
    %get3A_19 = vector.load %arg3[%get3A_17, %get3A_18] : memref<1x128xf32, #tpu.memory_space<vmem>>, vector<1x128xf32>
    %add3A_20 = vector.broadcast %get3A_19 : vector<1x128xf32> to vector<1000x128xf32>
    %add3A_21 = arith.addf %mul3A_16, %add3A_20 : vector<1000x128xf32>
    %swap3A = arith.constant 0 : index
    %swap3A_22 = arith.constant 0 : index
    %swap3A_23 = vector.load %arg4[%swap3A, %swap3A_22] : memref<1000x128xf32, #tpu.memory_space<vmem>>, vector<1000x128xf32>
    tpu.vector_store %arg4[%swap3A, %swap3A_22], %add3A_21 {strides = array<i32>} : memref<1000x128xf32, #tpu.memory_space<vmem>>, vector<1000x128xf32>,
    return
  }
  func.func @transform_0(%arg0: i32) -> (i32, i32, i32) {
    %c0_i32 = arith.constant 0 : i32
    %c0_i32_0 = arith.constant 0 : i32
    %c0_i32_1 = arith.constant 0 : i32
    return %c0_i32, %arg0, %c0_i32_0 : i32, i32, i32
  }
  func.func @transform_1(%arg0: i32) -> (i32, i32) {
    %c0_i32 = arith.constant 0 : i32
    %c0_i32_0 = arith.constant 0 : i32
    return %arg0, %c0_i32 : i32, i32
  }
  func.func @transform_2(%arg0: i32) -> (i32, i32) {
    %c0_i32 = arith.constant 0 : i32
    %c0_i32_0 = arith.constant 0 : i32
    %c0_i32_1 = arith.constant 0 : i32
    return %c0_i32, %c0_i32_0 : i32, i32
  }
  func.func @transform_3(%arg0: i32) -> (i32, i32) {
    %c0_i32 = arith.constant 0 : i32
    %c0_i32_0 = arith.constant 0 : i32
    return %arg0, %c0_i32 : i32, i32
  }
}

module attributes {stable_mosaic.version = 14 : i64} {
  func.func @_transform_body(%arg0: i32, %arg1: memref<1000x128xf32, #tpu.memory_space<vmem>>, %arg2: memref<1000x128xf32, #tpu.memory_space<vmem>>, %arg3: memref<128x1280xf32, #tpu.memory_space<vmem>>, %arg4: memref<10x1000x128xf32, #tpu.memory_space<vmem>>) attributes {dimension_semantics = [#tpu.dimension_semantics<arbitrary>], iteration_bounds = array<i64: 10>, scalar_prefetch = 0 : i64, scratch_operands = 0 : i64, tpu.core_type = #tpu.core_type<tc>, window_params = [{transform_indices = @transform_0, window_bounds = array<i64: 1000, 128>}, {transform_indices = @transform_1, window_bounds = array<i64: 1000, 128>}, {pipeline_mode = #tpu.pipeline_mode<synchronous>, transform_indices = @transform_2, window_bounds = array<i64: 128, 1280>}, {transform_indices = @transform_3, window_bounds = array<i64: 10, 1000, 128>}]} {
    %get3A = arith.constant 0 : index
    %get3A_0 = arith.constant 0 : index
    %get3A_1 = vector.load %arg2[%get3A, %get3A_0] : memref<1000x128xf32, #tpu.memory_space<vmem>>, vector<1000x1xf32>
    %max3A = arith.constant 1.000000e+00 : f32
    %max3A_2 = vector.broadcast %max3A : f32 to vector<1000x1xf32>
    %max3A_3 = arith.maximumf %get3A_1, %max3A_2 : vector<1000x1xf32>
    %sqrt3A = math.sqrt %max3A_3 : vector<1000x1xf32>
    %div3A = arith.constant 1.000000e+00 : f32
    %div3A_4 = vector.broadcast %div3A : f32 to vector<1000x1xf32>
    %div3A_5 = arith.divf %div3A_4, %sqrt3A : vector<1000x1xf32>
    %get3A_6 = arith.constant 0 : index
    %get3A_7 = arith.constant 0 : index
    %get3A_8 = vector.load %arg1[%get3A_6, %get3A_7] : memref<1000x128xf32, #tpu.memory_space<vmem>>, vector<1000x128xf32>
    %mul3A = vector.broadcast %div3A_5 : vector<1000x1xf32> to vector<1000x128xf32>
    %mul3A_9 = arith.mulf %get3A_8, %mul3A : vector<1000x128xf32>
    %get3A_10 = arith.constant 0 : index
    %get3A_11 = arith.constant 0 : index
    %get3A_12 = vector.load %arg3[%get3A_10, %get3A_11] : memref<128x1280xf32, #tpu.memory_space<vmem>>, vector<128x1280xf32>
    %dot_general3A = arith.constant dense<0.000000e+00> : vector<1000x1280xf32>
    %dot_general3A_13 = tpu.matmul %mul3A_9, %get3A_12, %dot_general3A {dimension_numbers = #tpu.dot_dimension_numbers<[1], [0], [0], [1], [0, 0, 1, 1], [], []>, transpose_lhs_hint = false} : vector<1000x128xf32>, vector<128x1280xf32>, vector<1000x1280xf32> -> vector<1000x1280xf32>
    %slice3A = vector.extract_strided_slice %dot_general3A_13 {offsets = [0, 0], sizes = [1000, 128], strides = [1, 1]} : vector<1000x1280xf32> to vector<1000x128xf32>
    %swap3A = arith.constant 0 : index
    %swap3A_14 = arith.constant 0 : index
    %swap3A_15 = arith.constant 0 : index
    %swap3A_16 = vector.load %arg4[%swap3A, %swap3A_14, %swap3A_15] : memref<10x1000x128xf32, #tpu.memory_space<vmem>>, vector<1x1000x128xf32>
    %swap3A_17 = vector.shape_cast %swap3A_16 : vector<1x1000x128xf32> to vector<1000x128xf32>
    %swap3A_18 = vector.shape_cast %slice3A : vector<1000x128xf32> to vector<1x1000x128xf32>
    tpu.vector_store %arg4[%swap3A, %swap3A_14, %swap3A_15], %swap3A_18 {strides = array<i32>} : memref<10x1000x128xf32, #tpu.memory_space<vmem>>, vector<1x1000x128xf32>,
    %slice3A_19 = vector.extract_strided_slice %dot_general3A_13 {offsets = [0, 128], sizes = [1000, 128], strides = [1, 1]} : vector<1000x1280xf32> to vector<1000x128xf32>
    %swap3A_20 = arith.constant 1 : index
    %swap3A_21 = arith.constant 0 : index
    %swap3A_22 = arith.constant 0 : index
    %swap3A_23 = vector.load %arg4[%swap3A_20, %swap3A_21, %swap3A_22] : memref<10x1000x128xf32, #tpu.memory_space<vmem>>, vector<1x1000x128xf32>
    %swap3A_24 = vector.shape_cast %swap3A_23 : vector<1x1000x128xf32> to vector<1000x128xf32>
    %swap3A_25 = vector.shape_cast %slice3A_19 : vector<1000x128xf32> to vector<1x1000x128xf32>
    tpu.vector_store %arg4[%swap3A_20, %swap3A_21, %swap3A_22], %swap3A_25 {strides = array<i32>} : memref<10x1000x128xf32, #tpu.memory_space<vmem>>, vector<1x1000x128xf32>,
    %slice3A_26 = vector.extract_strided_slice %dot_general3A_13 {offsets = [0, 256], sizes = [1000, 128], strides = [1, 1]} : vector<1000x1280xf32> to vector<1000x128xf32>
    %swap3A_27 = arith.constant 2 : index
    %swap3A_28 = arith.constant 0 : index
    %swap3A_29 = arith.constant 0 : index
    %swap3A_30 = vector.load %arg4[%swap3A_27, %swap3A_28, %swap3A_29] : memref<10x1000x128xf32, #tpu.memory_space<vmem>>, vector<1x1000x128xf32>
    %swap3A_31 = vector.shape_cast %swap3A_30 : vector<1x1000x128xf32> to vector<1000x128xf32>
    %swap3A_32 = vector.shape_cast %slice3A_26 : vector<1000x128xf32> to vector<1x1000x128xf32>
    tpu.vector_store %arg4[%swap3A_27, %swap3A_28, %swap3A_29], %swap3A_32 {strides = array<i32>} : memref<10x1000x128xf32, #tpu.memory_space<vmem>>, vector<1x1000x128xf32>,
    %slice3A_33 = vector.extract_strided_slice %dot_general3A_13 {offsets = [0, 384], sizes = [1000, 128], strides = [1, 1]} : vector<1000x1280xf32> to vector<1000x128xf32>
    %swap3A_34 = arith.constant 3 : index
    %swap3A_35 = arith.constant 0 : index
    %swap3A_36 = arith.constant 0 : index
    %swap3A_37 = vector.load %arg4[%swap3A_34, %swap3A_35, %swap3A_36] : memref<10x1000x128xf32, #tpu.memory_space<vmem>>, vector<1x1000x128xf32>
    %swap3A_38 = vector.shape_cast %swap3A_37 : vector<1x1000x128xf32> to vector<1000x128xf32>
    %swap3A_39 = vector.shape_cast %slice3A_33 : vector<1000x128xf32> to vector<1x1000x128xf32>
    tpu.vector_store %arg4[%swap3A_34, %swap3A_35, %swap3A_36], %swap3A_39 {strides = array<i32>} : memref<10x1000x128xf32, #tpu.memory_space<vmem>>, vector<1x1000x128xf32>,
    %slice3A_40 = vector.extract_strided_slice %dot_general3A_13 {offsets = [0, 512], sizes = [1000, 128], strides = [1, 1]} : vector<1000x1280xf32> to vector<1000x128xf32>
    %swap3A_41 = arith.constant 4 : index
    %swap3A_42 = arith.constant 0 : index
    %swap3A_43 = arith.constant 0 : index
    %swap3A_44 = vector.load %arg4[%swap3A_41, %swap3A_42, %swap3A_43] : memref<10x1000x128xf32, #tpu.memory_space<vmem>>, vector<1x1000x128xf32>
    %swap3A_45 = vector.shape_cast %swap3A_44 : vector<1x1000x128xf32> to vector<1000x128xf32>
    %swap3A_46 = vector.shape_cast %slice3A_40 : vector<1000x128xf32> to vector<1x1000x128xf32>
    tpu.vector_store %arg4[%swap3A_41, %swap3A_42, %swap3A_43], %swap3A_46 {strides = array<i32>} : memref<10x1000x128xf32, #tpu.memory_space<vmem>>, vector<1x1000x128xf32>,
    %slice3A_47 = vector.extract_strided_slice %dot_general3A_13 {offsets = [0, 640], sizes = [1000, 128], strides = [1, 1]} : vector<1000x1280xf32> to vector<1000x128xf32>
    %swap3A_48 = arith.constant 5 : index
    %swap3A_49 = arith.constant 0 : index
    %swap3A_50 = arith.constant 0 : index
    %swap3A_51 = vector.load %arg4[%swap3A_48, %swap3A_49, %swap3A_50] : memref<10x1000x128xf32, #tpu.memory_space<vmem>>, vector<1x1000x128xf32>
    %swap3A_52 = vector.shape_cast %swap3A_51 : vector<1x1000x128xf32> to vector<1000x128xf32>
    %swap3A_53 = vector.shape_cast %slice3A_47 : vector<1000x128xf32> to vector<1x1000x128xf32>
    tpu.vector_store %arg4[%swap3A_48, %swap3A_49, %swap3A_50], %swap3A_53 {strides = array<i32>} : memref<10x1000x128xf32, #tpu.memory_space<vmem>>, vector<1x1000x128xf32>,
    %slice3A_54 = vector.extract_strided_slice %dot_general3A_13 {offsets = [0, 768], sizes = [1000, 128], strides = [1, 1]} : vector<1000x1280xf32> to vector<1000x128xf32>
    %swap3A_55 = arith.constant 6 : index
    %swap3A_56 = arith.constant 0 : index
    %swap3A_57 = arith.constant 0 : index
    %swap3A_58 = vector.load %arg4[%swap3A_55, %swap3A_56, %swap3A_57] : memref<10x1000x128xf32, #tpu.memory_space<vmem>>, vector<1x1000x128xf32>
    %swap3A_59 = vector.shape_cast %swap3A_58 : vector<1x1000x128xf32> to vector<1000x128xf32>
    %swap3A_60 = vector.shape_cast %slice3A_54 : vector<1000x128xf32> to vector<1x1000x128xf32>
    tpu.vector_store %arg4[%swap3A_55, %swap3A_56, %swap3A_57], %swap3A_60 {strides = array<i32>} : memref<10x1000x128xf32, #tpu.memory_space<vmem>>, vector<1x1000x128xf32>,
    %slice3A_61 = vector.extract_strided_slice %dot_general3A_13 {offsets = [0, 896], sizes = [1000, 128], strides = [1, 1]} : vector<1000x1280xf32> to vector<1000x128xf32>
    %swap3A_62 = arith.constant 7 : index
    %swap3A_63 = arith.constant 0 : index
    %swap3A_64 = arith.constant 0 : index
    %swap3A_65 = vector.load %arg4[%swap3A_62, %swap3A_63, %swap3A_64] : memref<10x1000x128xf32, #tpu.memory_space<vmem>>, vector<1x1000x128xf32>
    %swap3A_66 = vector.shape_cast %swap3A_65 : vector<1x1000x128xf32> to vector<1000x128xf32>
    %swap3A_67 = vector.shape_cast %slice3A_61 : vector<1000x128xf32> to vector<1x1000x128xf32>
    tpu.vector_store %arg4[%swap3A_62, %swap3A_63, %swap3A_64], %swap3A_67 {strides = array<i32>} : memref<10x1000x128xf32, #tpu.memory_space<vmem>>, vector<1x1000x128xf32>,
    %slice3A_68 = vector.extract_strided_slice %dot_general3A_13 {offsets = [0, 1024], sizes = [1000, 128], strides = [1, 1]} : vector<1000x1280xf32> to vector<1000x128xf32>
    %swap3A_69 = arith.constant 8 : index
    %swap3A_70 = arith.constant 0 : index
    %swap3A_71 = arith.constant 0 : index
    %swap3A_72 = vector.load %arg4[%swap3A_69, %swap3A_70, %swap3A_71] : memref<10x1000x128xf32, #tpu.memory_space<vmem>>, vector<1x1000x128xf32>
    %swap3A_73 = vector.shape_cast %swap3A_72 : vector<1x1000x128xf32> to vector<1000x128xf32>
    %swap3A_74 = vector.shape_cast %slice3A_68 : vector<1000x128xf32> to vector<1x1000x128xf32>
    tpu.vector_store %arg4[%swap3A_69, %swap3A_70, %swap3A_71], %swap3A_74 {strides = array<i32>} : memref<10x1000x128xf32, #tpu.memory_space<vmem>>, vector<1x1000x128xf32>,
    %slice3A_75 = vector.extract_strided_slice %dot_general3A_13 {offsets = [0, 1152], sizes = [1000, 128], strides = [1, 1]} : vector<1000x1280xf32> to vector<1000x128xf32>
    %swap3A_76 = arith.constant 9 : index
    %swap3A_77 = arith.constant 0 : index
    %swap3A_78 = arith.constant 0 : index
    %swap3A_79 = vector.load %arg4[%swap3A_76, %swap3A_77, %swap3A_78] : memref<10x1000x128xf32, #tpu.memory_space<vmem>>, vector<1x1000x128xf32>
    %swap3A_80 = vector.shape_cast %swap3A_79 : vector<1x1000x128xf32> to vector<1000x128xf32>
    %swap3A_81 = vector.shape_cast %slice3A_75 : vector<1000x128xf32> to vector<1x1000x128xf32>
    tpu.vector_store %arg4[%swap3A_76, %swap3A_77, %swap3A_78], %swap3A_81 {strides = array<i32>} : memref<10x1000x128xf32, #tpu.memory_space<vmem>>, vector<1x1000x128xf32>,
    return
  }
  func.func @transform_0(%arg0: i32) -> (i32, i32) {
    %c0_i32 = arith.constant 0 : i32
    %c0_i32_0 = arith.constant 0 : i32
    return %arg0, %c0_i32 : i32, i32
  }
  func.func @transform_1(%arg0: i32) -> (i32, i32) {
    %c0_i32 = arith.constant 0 : i32
    %c0_i32_0 = arith.constant 0 : i32
    return %arg0, %c0_i32 : i32, i32
  }
  func.func @transform_2(%arg0: i32) -> (i32, i32) {
    %c0_i32 = arith.constant 0 : i32
    %c0_i32_0 = arith.constant 0 : i32
    %c0_i32_1 = arith.constant 0 : i32
    return %c0_i32, %c0_i32_0 : i32, i32
  }
  func.func @transform_3(%arg0: i32) -> (i32, i32, i32) {
    %c0_i32 = arith.constant 0 : i32
    %c0_i32_0 = arith.constant 0 : i32
    %c0_i32_1 = arith.constant 0 : i32
    return %c0_i32, %arg0, %c0_i32_0 : i32, i32, i32
  }
}

</mosaic_0001>

<sc_bundles>
// kernel: kernel.10.cloned.1.call-start
scs
__scs_entry_jumppad:
0x0: {  	(pc) =	sbr.rel $0x88, $3  }
0x1: {  	(tag) =	ssettag $0x0;
	lr =	simm.s32 $0x1  }
0x2: {  	[smem:$0x3F9C] =	sst lr;
	_ =	strace $0xD0000000  }
0x3: {  	_ = 	snop  }
0x4: {  	_ = 	snop  }
0x5: {  	_ = 	snop  }
0x6: {  	_ = 	snop  }
0x7: {  	_ = 	snop  }
__scs_overlays_trampoline_lowered:
0x8: {  	[smem:$0x3FAB] =	sst s0  }
0x9: {  	[smem:$0x3FAC] =	sst s1  }
0xa: {  	[smem:$0x3FAD] =	sst s2  }
0xb: {  	[smem:$0x3FAE] =	sst s3  }
0xc: {  	[smem:$0x3FAF] =	sst s4  }
0xd: {  	[smem:$0x3FB0] =	sst s5  }
0xe: {  	[smem:$0x3FB1] =	sst s6  }
0xf: {  	[smem:$0x3FB2] =	sst s7  }
0x10: {  	[smem:$0x3FB3] =	sst s8  }
0x11: {  	[smem:$0x3FB4] =	sst s9;
	s0 =	simm.s32 @!p0 $0x0  }
0x12: {  	s1 =	sld [smem:$0x3F9A];
	s0 =	simm.s32 @p0 $0x1  }
0x13: {  	[smem:$0x3FB5] =	sst s0;
	s0 =	simm.s32 @!p1 $0x0  }
0x14: {  	s2 =	sld [smem:$0x3F99];
	s0 =	simm.s32 @p1 $0x1  }
0x15: {  	[smem:$0x3FB6] =	sst s0;
	s0 =	simm.s32 @!p2 $0x0  }
0x16: {  	s3 =	sld [smem:$0x3FDB];
	s0 =	simm.s32 @p2 $0x1  }
0x17: {  	s4 =	simm.s32 $0x1BF5;
	[smem:$0x3FB8] =	sst s0  }
0x18: {  	s0 =	sld [smem:$0x3F9B];
	_ =	swait.ge [sflag:s4], $0x0  }
0x19: {  	s7 =	sld [smem:$0x3F9C]  }
0x1a: {  	s8 =	sadd.s32 $0xFFFFE003, lr  }
0x1b: {  	s9 =	sadd.s32 $0xFFFFFEF7, lr;
	s5 =	simm.s32 $0xFFFFFFFF;
	p2 =	slt.u32 s8, $0xFFFFF086  }
0x1c: {  	p1 =	slt.u32 s9, $0xF7A;
	s5 =	simm.s32 @!p2 $0x0  }
0x1d: {  	s5 =	simm.s32 @p1 $0x1;
	p0 =	seq.s32 s7, s2  }
0x1e: {  	s7 =	smul.u32 @!p0 $0xF7A, s2;
	p2 =	seq.s32 @!p0 s5, $0x0  }
0x1f: {  	s9 =	smul.u32 $0xF7A, s1;
	s8 =	simm.s32 @!p0 $0x1BF5;
	p2 =	por !p2, p0  }
0x20: {  	[sflag:s8] =	ssyncset.s32 @!p0 $0xFFFFF086;
	s6 =	sadd.s32 @!p0 s3, s7;
	s7 =	simm.s32 @!p0 $0x108  }
0x21: {  	s3 =	sadd.s32 s3, s9;
	s6 =	sadd.s32 @!p0 $0x88, s6;
	s7 =	simm.s32 @p2 $0x1082  }
0x22: {  	[simem:s7], [sflag:s8] =	dma.local @!p0 [hbm:s6], $0xF7A  }
0x23: {  	s9 =	sor.u32 $0xD0000000, s2;
	s6 =	simm.s32 $0x108;
	_ =	swait.ge @!p0 [sflag:s8], $0x0  }
0x24: {  	s3 =	sadd.s32 $0x88, s3;
	s6 =	simm.s32 @!p1 $0x1082;
	[sflag:s4] =	ssyncset.s32 $0xFFFFF086  }
0x25: {  	[simem:s6], [sflag:s4] =	dma.local [hbm:s3], $0xF7A  }
0x26: {  	[smem:$0x3F9C] =	sst s1;
	(tag) =	ssettag s2;
	_ =	strace s9  }
0x27: {  	s1 =	sld [smem:$0x3FAC]  }
0x28: {  	s2 =	sld [smem:$0x3FAD]  }
0x29: {  	s4 =	sld [smem:$0x3FAF]  }
0x2a: {  	p0 =	seq.s32 s5, $0x0;
	s5 =	sld [smem:$0x3FB0]  }
0x2b: {  	s6 =	sld [smem:$0x3FB1]  }
0x2c: {  	s7 =	sld [smem:$0x3FB2]  }
0x2d: {  	s3 =	simm.s32 $0x108;
	s8 =	sld [smem:$0x3FB3]  }
0x2e: {  	s3 =	simm.s32 @!p0 $0x1082;
	s9 =	sld [smem:$0x3FB4]  }
0x2f: {  	lr =	sadd.s32 s0, s3;
	s0 =	sld [smem:$0x3FAB]  }
0x30: {  	s3 =	sld [smem:$0x3FAE]  }
0x31: {  	[smem:$0x3FB7] =	sst s10  }
0x32: {  	s10 =	sld [smem:$0x3FB5];
	_ =	sdelay $0x3  }
0x33: {  	p0 =	seq.s32 s10, $0x1;
	s10 =	sld [smem:$0x3FB7];
	_ =	sdelay $0x3  }
0x34: {  	[smem:$0x3FB7] =	sst s10  }
0x35: {  	s10 =	sld [smem:$0x3FB6];
	_ =	sdelay $0x3  }
0x36: {  	p1 =	seq.s32 s10, $0x1;
	s10 =	sld [smem:$0x3FB7];
	_ =	sdelay $0x3  }
0x37: {  	[smem:$0x3FB7] =	sst s10  }
0x38: {  	s10 =	sld [smem:$0x3FB8]  }
0x39: {  	_ = 	snop;
	(pc) =	sbr.ind lr, $3  }
0x3a: {  	_ = 	snop  }
0x3b: {  	_ = 	snop  }
0x3c: {  	p2 =	seq.s32 s10, $0x1;
	s10 =	sld [smem:$0x3FB7]  }
0x3d: {  	_ =	shalt  }
0x3e: {  	_ =	shalt  }
0x3f: {  	_ =	shalt  }
0x40: {  	_ =	shalt  }
0x41: {  	_ =	shalt  }
0x42: {  	_ =	shalt  }
0x43: {  	_ =	shalt  }
0x44: {  	_ =	shalt  }
0x45: {  	_ =	shalt  }
0x46: {  	_ =	shalt  }
0x47: {  	_ =	shalt  }
0x48: {  	_ =	shalt  }
0x49: {  	_ =	shalt  }
0x4a: {  	_ =	shalt  }
0x4b: {  	_ =	shalt  }
0x4c: {  	_ =	shalt  }
0x4d: {  	_ =	shalt  }
0x4e: {  	_ =	shalt  }
0x4f: {  	_ =	shalt  }
0x50: {  	_ =	shalt  }
0x51: {  	_ =	shalt  }
0x52: {  	_ =	shalt  }
0x53: {  	_ =	shalt  }
0x54: {  	_ =	shalt  }
0x55: {  	_ =	shalt  }
0x56: {  	_ =	shalt  }
0x57: {  	_ =	shalt  }
0x58: {  	_ =	shalt  }
0x59: {  	_ =	shalt  }
0x5a: {  	_ =	shalt  }
0x5b: {  	_ =	shalt  }
0x5c: {  	_ =	shalt  }
0x5d: {  	_ =	shalt  }
0x5e: {  	_ =	shalt  }
0x5f: {  	_ =	shalt  }
0x60: {  	_ =	shalt  }
0x61: {  	_ =	shalt  }
0x62: {  	_ =	shalt  }
0x63: {  	_ =	shalt  }
0x64: {  	_ =	shalt  }
0x65: {  	_ =	shalt  }
0x66: {  	_ =	shalt  }
0x67: {  	_ =	shalt  }
0x68: {  	_ =	shalt  }
0x69: {  	_ =	shalt  }
0x6a: {  	_ =	shalt  }
0x6b: {  	_ =	shalt  }
0x6c: {  	_ =	shalt  }
0x6d: {  	_ =	shalt  }
0x6e: {  	_ =	shalt  }
0x6f: {  	_ =	shalt  }
0x70: {  	_ =	shalt  }
0x71: {  	_ =	shalt  }
0x72: {  	_ =	shalt  }
0x73: {  	_ =	shalt  }
0x74: {  	_ =	shalt  }
0x75: {  	_ =	shalt  }
0x76: {  	_ =	shalt  }
0x77: {  	_ =	shalt  }
0x78: {  	_ =	shalt  }
0x79: {  	_ =	shalt  }
0x7a: {  	_ =	shalt  }
0x7b: {  	_ =	shalt  }
0x7c: {  	_ =	shalt  }
0x7d: {  	_ =	shalt  }
0x7e: {  	_ =	shalt  }
0x7f: {  	_ =	shalt  }
0x80: {  	_ =	shalt  }
0x81: {  	_ =	shalt  }
0x82: {  	_ =	shalt  }
0x83: {  	_ =	shalt  }
0x84: {  	_ =	shalt  }
0x85: {  	_ =	shalt  }
0x86: {  	_ =	shalt  }
0x87: {  	_ =	shalt  }
.Lfunc_end0:
.L_simem_size_0:
called_computation.1_lowered:
.L_overlay_start_0:
0x88: {  	s2 =	sld [smem:$0x3FD9]  }
0x89: {  	s3 =	sld [smem:$0x3FFE];
	_ =	sdelay $0x1  }
0x8a: {  	s1 =	srdreg.scid  }
0x8b: {  	s0 =	sand.u32 $0x1, s1  }
0x8c: {  	s16 =	sshll.u32 s0, $0xA;
	s2 =	sadd.s32 s3, s2  }
0x8d: {  	s2 =	sadd.s32 s2, s16  }
0x8e: {  	[smem:$0x3FC3] =	sst s2  }
0x8f: {  	_ = 	snop  }
0x90: {  	(tm) =	ssettm $0x1  }
0x91: {  	s17 =	sld [smem:$0x3FFB];
	_ =	sdelay $0x3  }
0x92: {  	_ =	strace s17  }
0x93: {  	s2 =	sld [smem:$0x3FFC];
	_ =	sdelay $0x3  }
0x94: {  	_ =	strace s2  }
0x95: {  	s2 =	sld [smem:$0x3FFD];
	_ =	sdelay $0x3  }
0x96: {  	_ =	strace s2  }
0x97: {  	_ =	strace $0x8FFFFFFF  }
0x98: {  	s18 =	sld [smem:$0x3FDB];
	_ =	sdelay $0x1  }
0x99: {  	s19 =	simm.s32 $_scs_section_size  }
0x9a: {  	s4 =	simm.s32 $_size__tile_overlayer_lowered;
	s5 =	simm.s32 $_tile_overlayer_lowered  }
0x9b: {  	s22 =	simm.s32 $0x1BFF;
	s21 =	sshll.u32 s5, $0x1;
	s2 =	sadd.s32 s19, s18  }
0x9c: {  	s6 =	simm.s32 $0x0;
	s20 =	sshll.u32 s4, $0x1;
	s4 =	sadd.s32 s21, s2  }
0x9d: {  	[timem:s6], [sflag:s22] =	dma.local [hbm:s4], s20  }
0x9e: {  	_ =	swait.ge [sflag:s22], s20  }
0x9f: {  	s3 =	ssub.s32 $0x0, s20;
	[sflag:s22] =	ssyncset.done $0x0  }
0xa0: {  	[sflag:s22] =	ssyncadd.s32 s3;
	_ =	sdelay $0x1  }
0xa1: {  	s23 =	simm.s32 $0x1B8B  }
0xa2: {  	_ =	swait.ge [sflag:s23], $0x1  }
0xa3: {  	[sflag:s23] =	ssyncset.done $0x0  }
0xa4: {  	s25 =	simm.s32 $0x1B8E;
	s24 =	sld [smem:$0x3FFE];
	[sflag:s23] =	ssyncadd.s32 $0xFFFFFFFF  }
0xa5: {  	s26 =	simm.s32 $execute0_lowered;
	[smem:$0x3FD2] =	sst s25  }
0xa6: {  	s4 =	sshll.u32 s26, $0x1;
	_ =	strace $0x80000049;
	[dreg:$0x1] =	wrdreg $0xFFFFFFFF  }
0xa7: {  	s28 =	simm.s32 $_size_execute0_lowered;
	s2 =	sadd.s32 s2, s4;
	[dreg:$0x0] =	wrdreg $0x0  }
0xa8: {  	s4 =	sshll.u32 s28, $0x1;
	[dreg:$0x2] =	wrdreg s2  }
0xa9: {  	[dreg:$0x3] =	wrdreg s4  }
0xaa: {  	[dreg:$0x4] =	wrdreg $0xC0  }
0xab: {  	_ =	task [dreg:s6], $0x5FFFF  }
0xac: {  	[dreg:$0x1] =	wrdreg $0xFFFFFFFF  }
0xad: {  	[dreg:$0x0] =	wrdreg $0x60  }
0xae: {  	[dreg:$0x2] =	wrdreg s24  }
0xaf: {  	[dreg:$0x3] =	wrdreg $0x0  }
0xb0: {  	[dreg:$0x4] =	wrdreg $0x9  }
0xb1: {  	_ =	task.clear_ibuf [dreg:s6], $0x5FFFF;
	_ =	strace $0x90000049  }
0xb2: {  	s29 =	simm.s32 $0x9;
	_ =	strace $0x8000004B  }
0xb3: {  	_ =	swait.ge [sflag:s29], $0x1  }
0xb4: {  	[sflag:s29] =	ssyncadd.s32 $0xFFFFFFFF  }
0xb5: {  	_ =	strace $0x9000004B  }
0xb6: {  	_ =	sfence  }
0xb7: {  	s30 =	sld [smem:$0x0];
	_ =	sdelay $0x2  }
0xb8: {  	s31 =	sshll.u32 s1, $0xD;
	s1 =	sshrl.u32 s1, $0x2  }
0xb9: {  	s3 =	sand.u32 $0x4000, s31;
	s1 =	sadd.s32 s1, s30  }
0xba: {  	s0 =	sor.u32 s3, s0;
	s1 =	sshll.u32 s1, $0x11  }
0xbb: {  	s0 =	sor.u32 s1, s0  }
0xbc: {  	s0 =	sadd.s32 $0x8F2B, s0  }
0xbd: {  	[sflag:s0] =	ssyncadd.remote.s32 $0x1  }
0xbe: {  	_ =	sfence.sel $0xFFFF  }
0xbf: {  	[dreg:$0x0] =	wrdreg $0xFFFFFFFF;
	(pc) =	sbr.abs _section_cstart, $3  }
0xc0: {  	[dreg:$0x1] =	wrdreg $0xFFFFFFFF  }
0xc1: {  	_ =	task.clear_ibuf [dreg:s6], $0x2FFFF;
	_ =	strace $0x9FFFFFFF  }
0xc2: {  	(tm) =	ssettm $0x7FFFFFFF  }
0xc3: {  	_ =	shalt  }
tec
execute0_lowered:
.L_overlay_start_1:
0x0: {  	(tag) =	ssettag $0x1  }
0x1: {  	s0 =	rddreg [dreg:$0x0]  }
0x2: {  	s2 =	rddreg [dreg:$0x1];
	s1 =	stileid.u32;
	s3 =	simm.s32 $0x0  }
0x3: {  	s4 =	srdreg.scid;
	s18 =	simm.s32 $0x14FA0;
	s19 =	simm.s32 $0x5  }
0x4: {  	s20 =	simm.s32 $0x14000;
	s21 =	simm.s32 $0x50;
	s22 =	simm.s32 $0x14050  }
0x5: {  	s23 =	simm.s32 $0x177A0;
	s24 =	simm.s32 $0x140A0;
	s25 =	simm.s32 $0x19FA0  }
0x6: {  	s7 =	smul.u32 $0x14000, s1;
	[smem:$0x7FF] =	sst s3;
	s8 =	sand.u32 $0x1, s4  }
0x7: {  	s5 =	sadd.s32 $0x66400, s0;
	s10 =	smul.u32 $0x50000, s1;
	s12 =	sshll.u32 s1, $0x1  }
0x8: {  	p0 =	seq.s32 s8, $0x1;
	_ =	strace $0x8000004A;
	s29 =	ssub.s32 $0x2, s8  }
0x9: {  	s8 =	sor.u32 s8, s12;
	s6 =	sadd.s32 $0x140000, s7;
	s4 =	sadd.s32 s7, s2  }
0xa: {  	s11 =	sshrl.u32 s29, $0x1;
	s10 =	sshrl.u32 s10, $0x2;
	s8 =	smul.u32 $0x2710, s8  }
0xb: {  	s7 =	smov.u32 @p0 s6;
	s6 =	sadd.s32 $0xC600, s0;
	s16 =	ssub.s32 s29, s11  }
0xc: {  	s15 =	sadd.s32 s10, s2;
	s9 =	sshrl.u32 s7, $0x3;
	s7 =	sadd.s32 $0x2800, s0  }
0xd: {  	s30 =	sadd.s32 $0x2800, s15;
	s31 =	sadd.s32 $0x5000, s15;
	s11 =	sadd.s32 $0x7800, s15  }
0xe: {  	s12 =	sadd.s32 $0xA000, s15;
	s13 =	sadd.s32 $0xC800, s15;
	s14 =	sadd.s32 $0xF000, s15  }
0xf: {  	s15 =	sadd.s32 $0x11800, s15;
	s0 =	sadd.s32 s9, s0;
	[dreg:$0x3] =	wrdreg s30  }
0x10: {  	v0 =	vimm.f32 $0.0e+00;
	s16 =	smax.u32 s16, $0x1;
	[dreg:$0x4] =	wrdreg s31;
	s17 =	sadd.s32 $0x1ECE00, s0  }
.LBB2_1:
0x11: {  	s26 =	simm.s32 $0x0;
	s28 =	simm.s32 $0x200  }
.LBB2_2:
0x12: {  	p0 =	sne.s32 s28, $0x9E00;
	[tilespmem:s26+$0x15010] =	vst v0  }
0x13: {  	[tilespmem:s26+$0x14FA0] =	vst v0  }
0x14: {  	[tilespmem:s26+$0x14FB0] =	vst v0  }
.Ltmp0:
0x15: {  	[tilespmem:s26+$0x14FC0] =	vst v0;
	(pc) =	sbr.rel @p0 .LBB2_2-.Ltmp0, $4  }
0x16: {  	[tilespmem:s26+$0x14FD0] =	vst v0  }
0x17: {  	[tilespmem:s26+$0x14FE0] =	vst v0  }
0x18: {  	[tilespmem:s26+$0x14FF0] =	vst v0  }
0x19: {  	[tilespmem:s26+$0x15000] =	vst v0;
	s26 =	sshra.s32 s28, $0x2;
	s28 =	sadd.s32 $0x200, s28  }
0x1a: {  	[tilespmem:s26+$0x15010] =	vst v0  }
0x1b: {  	[tilespmem:s26+$0x14FA0] =	vst v0  }
0x1c: {  	[tilespmem:s26+$0x14FB0] =	vst v0  }
0x1d: {  	[tilespmem:s26+$0x14FC0] =	vst v0  }
0x1e: {  	[tilespmem:s26+$0x14FD0] =	vst v0  }
0x1f: {  	[tilespmem:s26+$0x14FE0] =	vst v0  }
0x20: {  	[tilespmem:s26+$0x14FF0] =	vst v0  }
0x21: {  	[tilespmem:s26+$0x15000] =	vst v0  }
0x22: {  	[spmem:s4] =	stream.linear.scatter [tilespmem:s18], [sflag:$0x5], $0x2800, $0x38;
	[tilespmem:$0x1EFA0] =	vst v63  }
0x23: {  	_ =	swait.ge [sflag:s19], $0x2800  }
0x24: {  	[sflag:s19] =	ssyncset.done $0x0  }
0x25: {  	s0 =	rddreg [dreg:$0x3];
	[sflag:s19] =	ssyncadd.s32 $0xFFFFD800  }
0x26: {  	[spmem:s0] =	stream.linear.scatter [tilespmem:s18], [sflag:$0x5], $0x2800, $0x38;
	[tilespmem:$0x1EFA0] =	vst v63  }
0x27: {  	_ =	swait.ge [sflag:s19], $0x2800  }
0x28: {  	[sflag:s19] =	ssyncset.done $0x0  }
0x29: {  	s31 =	rddreg [dreg:$0x4];
	[sflag:s19] =	ssyncadd.s32 $0xFFFFD800  }
0x2a: {  	[spmem:s31] =	stream.linear.scatter [tilespmem:s18], [sflag:$0x5], $0x2800, $0x38;
	[tilespmem:$0x1EFA0] =	vst v63  }
0x2b: {  	_ =	swait.ge [sflag:s19], $0x2800  }
0x2c: {  	[sflag:s19] =	ssyncset.done $0x0  }
0x2d: {  	[sflag:s19] =	ssyncadd.s32 $0xFFFFD800  }
0x2e: {  	[spmem:s11] =	stream.linear.scatter [tilespmem:s18], [sflag:$0x5], $0x2800, $0x38;
	[tilespmem:$0x1EFA0] =	vst v63  }
0x2f: {  	_ =	swait.ge [sflag:s19], $0x2800  }
0x30: {  	[sflag:s19] =	ssyncset.done $0x0  }
0x31: {  	[sflag:s19] =	ssyncadd.s32 $0xFFFFD800  }
0x32: {  	[spmem:s12] =	stream.linear.scatter [tilespmem:s18], [sflag:$0x5], $0x2800, $0x38;
	[tilespmem:$0x1EFA0] =	vst v63  }
0x33: {  	_ =	swait.ge [sflag:s19], $0x2800  }
0x34: {  	[sflag:s19] =	ssyncset.done $0x0  }
0x35: {  	[sflag:s19] =	ssyncadd.s32 $0xFFFFD800  }
0x36: {  	[spmem:s13] =	stream.linear.scatter [tilespmem:s18], [sflag:$0x5], $0x2800, $0x38;
	[tilespmem:$0x1EFA0] =	vst v63  }
0x37: {  	_ =	swait.ge [sflag:s19], $0x2800  }
0x38: {  	[sflag:s19] =	ssyncset.done $0x0  }
0x39: {  	[sflag:s19] =	ssyncadd.s32 $0xFFFFD800  }
0x3a: {  	[spmem:s14] =	stream.linear.scatter [tilespmem:s18], [sflag:$0x5], $0x2800, $0x38;
	[tilespmem:$0x1EFA0] =	vst v63  }
0x3b: {  	_ =	swait.ge [sflag:s19], $0x2800  }
0x3c: {  	[sflag:s19] =	ssyncset.done $0x0  }
0x3d: {  	[sflag:s19] =	ssyncadd.s32 $0xFFFFD800  }
0x3e: {  	[spmem:s15] =	stream.linear.scatter [tilespmem:s18], [sflag:$0x5], $0x2800, $0x38;
	[tilespmem:$0x1EFA0] =	vst v63  }
0x3f: {  	_ =	swait.ge [sflag:s19], $0x2800  }
0x40: {  	[sflag:s19] =	ssyncset.done $0x0  }
0x41: {  	[sflag:s19] =	ssyncadd.s32 $0xFFFFD800  }
0x42: {  	s26 =	simm.s32 $0x0;
	s28 =	simm.s32 $0x0;
	[bflag:$0x0] =	sbarrier.arrive $0xFFFF  }
.LBB2_4:
0x43: {  	s0 =	smul.u32 $0x7D0, s28;
	_ =	sdelay $0x1  }
0x44: {  	s0 =	sadd.s32 s8, s0  }
0x45: {  	s0 =	sshrl.u32 s0, $0x3  }
0x46: {  	s29 =	sadd.s32 s6, s0  }
0x47: {  	[tilespmem:s20], [sflag:$0x5] =	stream.linear.gather [hbm4b:s29+s26], $0x7D0, $0x38;
	[tilespmem:$0x1EFA0] =	vst v63  }
0x48: {  	_ =	swait.ge [sflag:s19], $0x7D0  }
0x49: {  	[sflag:s19] =	ssyncset.done $0x0  }
0x4a: {  	s0 =	sadd.s32 s7, s0;
	s29 =	simm.s32 $0x147D0;
	[sflag:s19] =	ssyncadd.s32 $0xFFFFF830  }
0x4b: {  	[tilespmem:s29], [sflag:$0x5] =	stream.linear.gather [hbm4b:s0+s26], $0x7D0, $0x38;
	[tilespmem:$0x1EFA0] =	vst v63  }
0x4c: {  	_ =	swait.ge [sflag:s19], $0x7D0  }
0x4d: {  	[sflag:s19] =	ssyncset.done $0x0  }
0x4e: {  	[sflag:s19] =	ssyncadd.s32 $0xFFFFF830  }
0x4f: {  	[tilespmem:s18], [sflag:$0x1] =	stream.indirect.gather [hbm4b:s5+s21], $0x80, s20, s21, $0xb8;
	[tilespmem:$0x1EFA0] =	vst v63  }
0x50: {  	_ = 	snop  }
0x51: {  	[tilespmem:s23], [sflag:$0x2] =	stream.indirect.gather [hbm4b:s5+s21], $0x80, s22, s21, $0xb8;
	[tilespmem:$0x1EFA0] =	vst v63  }
0x52: {  	s30 =	simm.s32 $0x140F0;
	s31 =	simm.s32 $0x0  }
0x53: {  	[tilespmem:s25], [sflag:$0x3] =	stream.indirect.gather [hbm4b:s5+s21], $0x80, s24, s21, $0xb8;
	[tilespmem:$0x1EFA0] =	vst v63  }
.LBB2_5:
0x54: {  	s0 =	sand.u32 $0x3, s31  }
0x55: {  	p0 =	sgt.s32 s0, $0x1  }
0x56: {  	p2 =	seq.s32 @p0 s0, $0x2  }
0x57: {  	p1 =	por !p2, !p0  }
0x58: {  	p3 =	sgt.u32 @!p1 s31, $0x15;
	s1 =	simm.s32 @!p1 $0x3  }
0x59: {  	_ =	swait.ge @!p1 [sflag:s1], $0x2800;
	p3 =	por @p0 p3, !p2  }
0x5a: {  	[sflag:s1] =	ssyncset.done @!p1 $0x0;
	p3 =	por p3, !p0  }
0x5b: {  	[sflag:s1] =	ssyncadd.s32 @!p1 $0xFFFFD800;
	s1 =	simm.s32 @!p3 $0x50;
	s9 =	simm.s32 @!p3 $0x177A0  }
0x5c: {  	[tilespmem:s9], [sflag:$0x2] =	stream.indirect.gather @!p3 [hbm4b:s5+s1], $0x80, s30, s1, $0xb8;
	[tilespmem:$0x1EFA0] =	vst v63  }
0x5d: {  	s1 =	simm.s32 @!p1 $0x50;
	s9 =	simm.s32 @!p1 $0x19FA0;
	p3 =	por p2, !p0  }
0x5e: {  	[spmem:s2] =	stream.indirect.scatter.add.f32 @!p1 [tilespmem:s9], [sflag:$0x6], $0x80, s29, s1, $0xb8;
	[tilespmem:$0x1EFA0] =	vst v63  }
0x5f: {  	p4 =	sgt.u32 @!p3 s31, $0x15;
	s1 =	simm.s32 @!p3 $0x4  }
0x60: {  	p2 =	por @p0 p4, p2;
	_ =	swait.ge @!p3 [sflag:s1], $0x2800  }
0x61: {  	p2 =	por p2, !p0;
	[sflag:s1] =	ssyncset.done @!p3 $0x0  }
0x62: {  	s9 =	simm.s32 @!p2 $0x19FA0;
	[sflag:s1] =	ssyncadd.s32 @!p3 $0xFFFFD800;
	s1 =	simm.s32 @!p2 $0x50  }
0x63: {  	[tilespmem:s9], [sflag:$0x3] =	stream.indirect.gather @!p2 [hbm4b:s5+s1], $0x80, s30, s1, $0xb8;
	[tilespmem:$0x1EFA0] =	vst v63  }
0x64: {  	s1 =	simm.s32 @!p3 $0x50;
	s9 =	simm.s32 @!p3 $0x1C7A0  }
0x65: {  	[spmem:s2] =	stream.indirect.scatter.add.f32 @!p3 [tilespmem:s9], [sflag:$0x5], $0x80, s29, s1, $0xb8;
	[tilespmem:$0x1EFA0] =	vst v63  }
0x66: {  	p3 =	seq.s32 @!p0 s0, $0x0  }
0x67: {  	p2 =	por !p3, p0  }
0x68: {  	p4 =	sgt.u32 @!p2 s31, $0x15;
	s0 =	simm.s32 @!p2 $0x1  }
0x69: {  	_ =	swait.ge @!p2 [sflag:s0], $0x2800;
	p4 =	por @!p0 p4, !p3  }
0x6a: {  	[sflag:s0] =	ssyncset.done @!p2 $0x0;
	p4 =	por p4, p0  }
0x6b: {  	[sflag:s0] =	ssyncadd.s32 @!p2 $0xFFFFD800;
	s0 =	simm.s32 @!p4 $0x50;
	s1 =	simm.s32 @!p4 $0x1C7A0  }
0x6c: {  	[tilespmem:s1], [sflag:$0x4] =	stream.indirect.gather @!p4 [hbm4b:s5+s0], $0x80, s30, s0, $0xb8;
	[tilespmem:$0x1EFA0] =	vst v63  }
0x6d: {  	s0 =	simm.s32 @!p2 $0x50;
	s1 =	simm.s32 @!p2 $0x14FA0;
	p4 =	por p3, p0  }
0x6e: {  	[spmem:s2] =	stream.indirect.scatter.add.f32 @!p2 [tilespmem:s1], [sflag:$0x6], $0x80, s29, s0, $0xb8;
	[tilespmem:$0x1EFA0] =	vst v63  }
0x6f: {  	p5 =	sgt.u32 @!p4 s31, $0x15;
	s0 =	simm.s32 @!p4 $0x2  }
0x70: {  	p3 =	por @!p0 p5, p3;
	_ =	swait.ge @!p4 [sflag:s0], $0x2800  }
0x71: {  	p3 =	por p3, p0;
	[sflag:s0] =	ssyncset.done @!p4 $0x0  }
0x72: {  	s9 =	simm.s32 @!p3 $0x14FA0;
	[sflag:s0] =	ssyncadd.s32 @!p4 $0xFFFFD800;
	s0 =	simm.s32 @!p3 $0x50  }
0x73: {  	[tilespmem:s9], [sflag:$0x1] =	stream.indirect.gather @!p3 [hbm4b:s5+s0], $0x80, s30, s0, $0xb8;
	[tilespmem:$0x1EFA0] =	vst v63  }
0x74: {  	s1 =	simm.s32 @!p1 $0x6;
	s0 =	simm.s32 @!p2 $0x6  }
0x75: {  	s31 =	sadd.s32 $0x1, s31;
	s1 =	simm.s32 @p1 $0x5;
	s0 =	simm.s32 @p2 $0x6  }
0x76: {  	s0 =	smov.u32 @p0 s1;
	p0 =	sne.s32 s31, $0x19  }
.Ltmp1:
0x77: {  	s10 =	simm.s32 @!p4 $0x177A0;
	s9 =	simm.s32 @!p4 $0x50;
	(pc) =	sbr.rel @p0 .LBB2_5-.Ltmp1, $4  }
0x78: {  	[spmem:s2] =	stream.indirect.scatter.add.f32 @!p4 [tilespmem:s10], [sflag:$0x6], $0x80, s29, s9, $0xb8;
	[tilespmem:$0x1EFA0] =	vst v63  }
0x79: {  	_ =	swait.ge [sflag:s0], $0x2800  }
0x7a: {  	[sflag:s0] =	ssyncset.done $0x0  }
0x7b: {  	s30 =	sadd.s32 $0x50, s30;
	s29 =	sadd.s32 $0x50, s29;
	[sflag:s0] =	ssyncadd.s32 $0xFFFFD800  }
0x7c: {  	s28 =	sadd.s32 $0x1, s28  }
0x7d: {  	p0 =	sne.s32 s28, $0x5  }
.Ltmp2:
0x7e: {  	_ = 	snop;
	(pc) =	sbr.rel @p0 .LBB2_4-.Ltmp2, $1  }
0x7f: {  	_ =	sdelay $0x3  }
0x80: {  	s0 =	stileid.u32;
	s3 =	sadd.s32 $0x1, s3  }
0x81: {  	[bflag:$0x0] =	sbarrier.arrive $0xFFFF;
	s0 =	sshll.u32 s0, $0x6;
	p0 =	sne.s32 s3, s16  }
.Ltmp3:
0x82: {  	s1 =	sshrl.u32 s4, $0x3;
	s0 =	sor.u32 $0x1C05, s0;
	(pc) =	sbr.rel @p0 .LBB2_1-.Ltmp3, $4  }
0x83: {  	[hbm:s17], [sflag:s0] =	dma.local [spmem:s1], $0x2800  }
0x84: {  	_ =	swait.ge [sflag:s19], $0x2800  }
0x85: {  	[sflag:s19] =	ssyncset.done $0x0  }
0x86: {  	[sflag:s19] =	ssyncadd.s32 $0xFFFFD800  }
0x87: {  	_ =	sfence.sel $0x180000  }
0x88: {  	[bflag:$0x0] =	sbarrier.arrive $0xFFFF  }
0x89: {  	_ =	strace $0x9000004A  }
0x8a: {  	s0 =	stileid.u32;
	[bflag:$0x2] =	sbarrier.arrive $0xFFFF  }
0x8b: {  	p0 =	sne.s32 s0, $0x0;
	s0 =	rddreg [dreg:$0x2]  }
0x8c: {  	s0 =	sadd.s32 @!p0 $0x100000, s0  }
0x8d: {  	[sflag:s0] =	ssyncadd.tile.s32 @!p0 $0x1;
	_ =	shalt  }
.Lfunc_end2:
_tile_overlayer_lowered:
.L_overlay_start_2:
0x8e: {  	(tag) =	ssettag $0x2  }
0x8f: {  	s0 =	rddreg [dreg:$0x0];
	s2 =	stileid.u32  }
0x90: {  	s1 =	rddreg [dreg:$0x1];
	p0 =	sne.s32 s2, $0x0  }
0x91: {  	s3 =	rddreg [dreg:$0x2];
	[bflag:$0x3] =	sbarrier.arrive $0xFFFF;
	s2 =	simm.s32 @!p0 $0x1C05  }
0x92: {  	[timem:s3], [sflag:s2] =	dma.local @!p0 [hbm:s0], s1  }
0x93: {  	s0 =	simm.s32 @!p0 $0x5  }
0x94: {  	_ =	swait.ge @!p0 [sflag:s0], s1  }
0x95: {  	s1 =	ssub.s32 @!p0 $0x0, s1;
	[sflag:s0] =	ssyncset.done @!p0 $0x0  }
0x96: {  	[sflag:s0] =	ssyncadd.s32 @!p0 s1  }
0x97: {  	[bflag:$0x3] =	sbarrier.arrive $0xFFFF  }
0x98: {  	_ =	shalt  }

// kernel: kernel.7.cloned.1.call-start
scs
__scs_entry_jumppad:
0x0: {  	(pc) =	sbr.rel $0x88, $3  }
0x1: {  	(tag) =	ssettag $0x0;
	lr =	simm.s32 $0x1  }
0x2: {  	[smem:$0x3F9C] =	sst lr;
	_ =	strace $0xD0000000  }
0x3: {  	_ = 	snop  }
0x4: {  	_ = 	snop  }
0x5: {  	_ = 	snop  }
0x6: {  	_ = 	snop  }
0x7: {  	_ = 	snop  }
__scs_overlays_trampoline_lowered:
0x8: {  	[smem:$0x3FAB] =	sst s0  }
0x9: {  	[smem:$0x3FAC] =	sst s1  }
0xa: {  	[smem:$0x3FAD] =	sst s2  }
0xb: {  	[smem:$0x3FAE] =	sst s3  }
0xc: {  	[smem:$0x3FAF] =	sst s4  }
0xd: {  	[smem:$0x3FB0] =	sst s5  }
0xe: {  	[smem:$0x3FB1] =	sst s6  }
0xf: {  	[smem:$0x3FB2] =	sst s7  }
0x10: {  	[smem:$0x3FB3] =	sst s8  }
0x11: {  	[smem:$0x3FB4] =	sst s9;
	s0 =	simm.s32 @!p0 $0x0  }
0x12: {  	s1 =	sld [smem:$0x3F9A];
	s0 =	simm.s32 @p0 $0x1  }
0x13: {  	[smem:$0x3FB5] =	sst s0;
	s0 =	simm.s32 @!p1 $0x0  }
0x14: {  	s2 =	sld [smem:$0x3F99];
	s0 =	simm.s32 @p1 $0x1  }
0x15: {  	[smem:$0x3FB6] =	sst s0;
	s0 =	simm.s32 @!p2 $0x0  }
0x16: {  	s3 =	sld [smem:$0x3FDB];
	s0 =	simm.s32 @p2 $0x1  }
0x17: {  	s4 =	simm.s32 $0x1BF5;
	[smem:$0x3FB8] =	sst s0  }
0x18: {  	s0 =	sld [smem:$0x3F9B];
	_ =	swait.ge [sflag:s4], $0x0  }
0x19: {  	s7 =	sld [smem:$0x3F9C]  }
0x1a: {  	s8 =	sadd.s32 $0xFFFFE003, lr  }
0x1b: {  	s9 =	sadd.s32 $0xFFFFFEF7, lr;
	s5 =	simm.s32 $0xFFFFFFFF;
	p2 =	slt.u32 s8, $0xFFFFF086  }
0x1c: {  	p1 =	slt.u32 s9, $0xF7A;
	s5 =	simm.s32 @!p2 $0x0  }
0x1d: {  	s5 =	simm.s32 @p1 $0x1;
	p0 =	seq.s32 s7, s2  }
0x1e: {  	s7 =	smul.u32 @!p0 $0xF7A, s2;
	p2 =	seq.s32 @!p0 s5, $0x0  }
0x1f: {  	s9 =	smul.u32 $0xF7A, s1;
	s8 =	simm.s32 @!p0 $0x1BF5;
	p2 =	por !p2, p0  }
0x20: {  	[sflag:s8] =	ssyncset.s32 @!p0 $0xFFFFF086;
	s6 =	sadd.s32 @!p0 s3, s7;
	s7 =	simm.s32 @!p0 $0x108  }
0x21: {  	s3 =	sadd.s32 s3, s9;
	s6 =	sadd.s32 @!p0 $0x88, s6;
	s7 =	simm.s32 @p2 $0x1082  }
0x22: {  	[simem:s7], [sflag:s8] =	dma.local @!p0 [hbm:s6], $0xF7A  }
0x23: {  	s9 =	sor.u32 $0xD0000000, s2;
	s6 =	simm.s32 $0x108;
	_ =	swait.ge @!p0 [sflag:s8], $0x0  }
0x24: {  	s3 =	sadd.s32 $0x88, s3;
	s6 =	simm.s32 @!p1 $0x1082;
	[sflag:s4] =	ssyncset.s32 $0xFFFFF086  }
0x25: {  	[simem:s6], [sflag:s4] =	dma.local [hbm:s3], $0xF7A  }
0x26: {  	[smem:$0x3F9C] =	sst s1;
	(tag) =	ssettag s2;
	_ =	strace s9  }
0x27: {  	s1 =	sld [smem:$0x3FAC]  }
0x28: {  	s2 =	sld [smem:$0x3FAD]  }
0x29: {  	s4 =	sld [smem:$0x3FAF]  }
0x2a: {  	p0 =	seq.s32 s5, $0x0;
	s5 =	sld [smem:$0x3FB0]  }
0x2b: {  	s6 =	sld [smem:$0x3FB1]  }
0x2c: {  	s7 =	sld [smem:$0x3FB2]  }
0x2d: {  	s3 =	simm.s32 $0x108;
	s8 =	sld [smem:$0x3FB3]  }
0x2e: {  	s3 =	simm.s32 @!p0 $0x1082;
	s9 =	sld [smem:$0x3FB4]  }
0x2f: {  	lr =	sadd.s32 s0, s3;
	s0 =	sld [smem:$0x3FAB]  }
0x30: {  	s3 =	sld [smem:$0x3FAE]  }
0x31: {  	[smem:$0x3FB7] =	sst s10  }
0x32: {  	s10 =	sld [smem:$0x3FB5];
	_ =	sdelay $0x3  }
0x33: {  	p0 =	seq.s32 s10, $0x1;
	s10 =	sld [smem:$0x3FB7];
	_ =	sdelay $0x3  }
0x34: {  	[smem:$0x3FB7] =	sst s10  }
0x35: {  	s10 =	sld [smem:$0x3FB6];
	_ =	sdelay $0x3  }
0x36: {  	p1 =	seq.s32 s10, $0x1;
	s10 =	sld [smem:$0x3FB7];
	_ =	sdelay $0x3  }
0x37: {  	[smem:$0x3FB7] =	sst s10  }
0x38: {  	s10 =	sld [smem:$0x3FB8]  }
0x39: {  	_ = 	snop;
	(pc) =	sbr.ind lr, $3  }
0x3a: {  	_ = 	snop  }
0x3b: {  	_ = 	snop  }
0x3c: {  	p2 =	seq.s32 s10, $0x1;
	s10 =	sld [smem:$0x3FB7]  }
0x3d: {  	_ =	shalt  }
0x3e: {  	_ =	shalt  }
0x3f: {  	_ =	shalt  }
0x40: {  	_ =	shalt  }
0x41: {  	_ =	shalt  }
0x42: {  	_ =	shalt  }
0x43: {  	_ =	shalt  }
0x44: {  	_ =	shalt  }
0x45: {  	_ =	shalt  }
0x46: {  	_ =	shalt  }
0x47: {  	_ =	shalt  }
0x48: {  	_ =	shalt  }
0x49: {  	_ =	shalt  }
0x4a: {  	_ =	shalt  }
0x4b: {  	_ =	shalt  }
0x4c: {  	_ =	shalt  }
0x4d: {  	_ =	shalt  }
0x4e: {  	_ =	shalt  }
0x4f: {  	_ =	shalt  }
0x50: {  	_ =	shalt  }
0x51: {  	_ =	shalt  }
0x52: {  	_ =	shalt  }
0x53: {  	_ =	shalt  }
0x54: {  	_ =	shalt  }
0x55: {  	_ =	shalt  }
0x56: {  	_ =	shalt  }
0x57: {  	_ =	shalt  }
0x58: {  	_ =	shalt  }
0x59: {  	_ =	shalt  }
0x5a: {  	_ =	shalt  }
0x5b: {  	_ =	shalt  }
0x5c: {  	_ =	shalt  }
0x5d: {  	_ =	shalt  }
0x5e: {  	_ =	shalt  }
0x5f: {  	_ =	shalt  }
0x60: {  	_ =	shalt  }
0x61: {  	_ =	shalt  }
0x62: {  	_ =	shalt  }
0x63: {  	_ =	shalt  }
0x64: {  	_ =	shalt  }
0x65: {  	_ =	shalt  }
0x66: {  	_ =	shalt  }
0x67: {  	_ =	shalt  }
0x68: {  	_ =	shalt  }
0x69: {  	_ =	shalt  }
0x6a: {  	_ =	shalt  }
0x6b: {  	_ =	shalt  }
0x6c: {  	_ =	shalt  }
0x6d: {  	_ =	shalt  }
0x6e: {  	_ =	shalt  }
0x6f: {  	_ =	shalt  }
0x70: {  	_ =	shalt  }
0x71: {  	_ =	shalt  }
0x72: {  	_ =	shalt  }
0x73: {  	_ =	shalt  }
0x74: {  	_ =	shalt  }
0x75: {  	_ =	shalt  }
0x76: {  	_ =	shalt  }
0x77: {  	_ =	shalt  }
0x78: {  	_ =	shalt  }
0x79: {  	_ =	shalt  }
0x7a: {  	_ =	shalt  }
0x7b: {  	_ =	shalt  }
0x7c: {  	_ =	shalt  }
0x7d: {  	_ =	shalt  }
0x7e: {  	_ =	shalt  }
0x7f: {  	_ =	shalt  }
0x80: {  	_ =	shalt  }
0x81: {  	_ =	shalt  }
0x82: {  	_ =	shalt  }
0x83: {  	_ =	shalt  }
0x84: {  	_ =	shalt  }
0x85: {  	_ =	shalt  }
0x86: {  	_ =	shalt  }
0x87: {  	_ =	shalt  }
.Lfunc_end0:
.L_simem_size_0:
called_computation_lowered:
.L_overlay_start_0:
0x88: {  	s2 =	sld [smem:$0x3FD9]  }
0x89: {  	s3 =	sld [smem:$0x3FFE];
	_ =	sdelay $0x1  }
0x8a: {  	s1 =	srdreg.scid  }
0x8b: {  	s0 =	sand.u32 $0x1, s1  }
0x8c: {  	s17 =	sshll.u32 s0, $0xA;
	s2 =	sadd.s32 s3, s2  }
0x8d: {  	s2 =	sadd.s32 s2, s17  }
0x8e: {  	[smem:$0x3FC3] =	sst s2  }
0x8f: {  	_ = 	snop  }
0x90: {  	s2 =	sld [smem:$0x3FD0];
	(tm) =	ssettm $0x1  }
0x91: {  	s18 =	sld [smem:$0x3FFB];
	_ =	sdelay $0x3  }
0x92: {  	_ =	strace s18  }
0x93: {  	s3 =	sld [smem:$0x3FFC];
	_ =	sdelay $0x3  }
0x94: {  	_ =	strace s3  }
0x95: {  	s3 =	sld [smem:$0x3FFD];
	_ =	sdelay $0x3  }
0x96: {  	_ =	strace s3  }
0x97: {  	_ =	strace $0x8FFFFFFF  }
0x98: {  	s19 =	sld [smem:$0x3FDB];
	_ =	sdelay $0x1  }
0x99: {  	s4 =	simm.s32 $_scs_section_size  }
0x9a: {  	s5 =	simm.s32 $_size__tile_overlayer_lowered;
	s6 =	simm.s32 $_tile_overlayer_lowered  }
0x9b: {  	s22 =	simm.s32 $0x1BFF;
	s21 =	sshll.u32 s6, $0x1;
	s3 =	sadd.s32 s4, s19  }
0x9c: {  	s7 =	simm.s32 $0x0;
	s20 =	sshll.u32 s5, $0x1;
	s5 =	sadd.s32 s21, s3  }
0x9d: {  	[timem:s7], [sflag:s22] =	dma.local [hbm:s5], s20  }
0x9e: {  	_ =	swait.ge [sflag:s22], s20  }
0x9f: {  	s4 =	ssub.s32 $0x0, s20;
	[sflag:s22] =	ssyncset.done $0x0  }
0xa0: {  	[sflag:s22] =	ssyncadd.s32 s4;
	_ =	sdelay $0x1  }
0xa1: {  	s23 =	simm.s32 $0x1B8B  }
0xa2: {  	_ =	swait.ge [sflag:s23], $0x1  }
0xa3: {  	[sflag:s23] =	ssyncset.done $0x0  }
0xa4: {  	s25 =	simm.s32 $0x1B8E;
	s24 =	sld [smem:$0x3FFE];
	[sflag:s23] =	ssyncadd.s32 $0xFFFFFFFF  }
0xa5: {  	s26 =	simm.s32 $execute0_lowered;
	[smem:$0x3FD2] =	sst s25  }
0xa6: {  	s5 =	sshll.u32 s26, $0x1;
	_ =	strace $0x80000046;
	[dreg:$0x1] =	wrdreg $0xFFFFFFFF  }
0xa7: {  	s28 =	simm.s32 $_size_execute0_lowered;
	s3 =	sadd.s32 s3, s5;
	[dreg:$0x0] =	wrdreg $0x0  }
0xa8: {  	s5 =	sshll.u32 s28, $0x1;
	[dreg:$0x2] =	wrdreg s3  }
0xa9: {  	[dreg:$0x3] =	wrdreg s5  }
0xaa: {  	[dreg:$0x4] =	wrdreg $0xC0  }
0xab: {  	_ =	task [dreg:s7], $0x5FFFF  }
0xac: {  	[dreg:$0x1] =	wrdreg $0xFFFFFFFF  }
0xad: {  	[dreg:$0x0] =	wrdreg $0x60  }
0xae: {  	[dreg:$0x2] =	wrdreg s2  }
0xaf: {  	[dreg:$0x3] =	wrdreg s24  }
0xb0: {  	[dreg:$0x4] =	wrdreg $0x0  }
0xb1: {  	[dreg:$0x5] =	wrdreg $0x9  }
0xb2: {  	_ =	task.clear_ibuf [dreg:s7], $0x6FFFF;
	_ =	strace $0x90000046  }
0xb3: {  	s29 =	simm.s32 $0x9;
	_ =	strace $0x80000048  }
0xb4: {  	_ =	swait.ge [sflag:s29], $0x1  }
0xb5: {  	[sflag:s29] =	ssyncadd.s32 $0xFFFFFFFF  }
0xb6: {  	_ =	strace $0x90000048  }
0xb7: {  	_ =	sfence  }
0xb8: {  	s30 =	sld [smem:$0x0];
	_ =	sdelay $0x2  }
0xb9: {  	s31 =	sshll.u32 s1, $0xD;
	s1 =	sshrl.u32 s1, $0x2  }
0xba: {  	s3 =	sand.u32 $0x4000, s31;
	s1 =	sadd.s32 s1, s30  }
0xbb: {  	s0 =	sor.u32 s3, s0;
	s1 =	sshll.u32 s1, $0x11  }
0xbc: {  	s0 =	sor.u32 s1, s0  }
0xbd: {  	s0 =	sadd.s32 $0x8F2B, s0  }
0xbe: {  	[sflag:s0] =	ssyncadd.remote.s32 $0x1  }
0xbf: {  	_ =	sfence.sel $0xFFFF  }
0xc0: {  	[dreg:$0x0] =	wrdreg $0xFFFFFFFF;
	(pc) =	sbr.abs _section_cstart, $3  }
0xc1: {  	[dreg:$0x1] =	wrdreg $0xFFFFFFFF  }
0xc2: {  	_ =	task.clear_ibuf [dreg:s7], $0x2FFFF;
	_ =	strace $0x9FFFFFFF  }
0xc3: {  	(tm) =	ssettm $0x7FFFFFFF  }
tec
execute0_lowered:
.L_overlay_start_1:
0x0: {  	(tag) =	ssettag $0x1  }
0x1: {  	s5 =	rddreg [dreg:$0x0]  }
0x2: {  	s4 =	rddreg [dreg:$0x1]  }
0x3: {  	s1 =	rddreg [dreg:$0x2]  }
0x4: {  	s0 =	rddreg [dreg:$0x3];
	s2 =	simm.s32 $0x0  }
0x5: {  	s3 =	srdreg.scid;
	s13 =	simm.s32 $0x1;
	s16 =	simm.s32 $0x10  }
0x6: {  	s17 =	simm.s32 $0x0;
	[smem:$0x7FF] =	sst s2;
	s6 =	sand.u32 $0x1, s3  }
0x7: {  	s3 =	stileid.u32;
	s8 =	sadd.s32 $0x2800, s4;
	s11 =	sadd.s32 $0x16400, s4  }
0x8: {  	s12 =	sadd.s32 $0x3E400, s4;
	_ =	strace $0x80000047;
	s10 =	smul.u32 $0xA000, s3  }
0x9: {  	s7 =	ssub.s32 $0x2, s6;
	p0 =	seq.s32 s6, $0x0;
	s29 =	smul.u32 $0x9C4, s3  }
0xa: {  	s31 =	smul.u32 $0x2800, s3;
	s14 =	sshll.u32 s3, $0x6;
	s9 =	sshrl.u32 s7, $0x1  }
0xb: {  	s8 =	smov.u32 @p0 s5;
	s12 =	smov.u32 @p0 s11;
	s11 =	simm.s32 $0x50  }
0xc: {  	s14 =	sor.u32 $0x1C02, s14;
	s7 =	ssub.s32 s7, s9;
	s30 =	sshrl.u32 s10, $0x2  }
0xd: {  	s6 =	sadd.s32 s8, s29;
	s8 =	simm.s32 $0x5500;
	s9 =	simm.s32 $0x2  }
0xe: {  	s10 =	simm.s32 $0x2800;
	s4 =	sadd.s32 s30, s1;
	s5 =	smax.u32 s7, $0x1  }
0xf: {  	v0 =	vimm.f32 $0.0e+00;
	v1 =	vimm.f32 $1.000000000e+00;
	s7 =	sadd.s32 s12, s31;
	s12 =	simm.s32 $0x5000;
	s15 =	sshrl.u32 s4, $0x3  }
.LBB2_1:
0x10: {  	[tilespmem:s8], [sflag:$0x2] =	stream.linear.gather [hbm4b:s6+s2], $0x4E20, $0x38;
	[tilespmem:$0xA320] =	vst v63  }
0x11: {  	_ =	swait.ge [sflag:s9], $0x4E20  }
0x12: {  	[sflag:s9] =	ssyncset.done $0x0  }
0x13: {  	s18 =	simm.s32 $0x40;
	s19 =	simm.s32 $0x0;
	[sflag:s9] =	ssyncadd.s32 $0xFFFFB1E0  }
.LBB2_2:
0x14: {  	p0 =	sne.s32 s18, $0x9FC0;
	[tilespmem:s19+$0x2800] =	vst v0;
	s19 =	smov.u32 s18;
	s18 =	sadd.s32 $0x40, s18  }
.Ltmp0:
0x15: {  	(pc) =	sbr.rel @p0 .LBB2_2-.Ltmp0, $2  }
0x16: {  	_ =	sdelay $0x2  }
0x17: {  	s19 =	sshra.s32 s19, $0x2  }
0x18: {  	[tilespmem:s19+$0x2800] =	vst v0  }
0x19: {  	[spmem:s4] =	stream.linear.scatter [tilespmem:s10], [sflag:$0x2], $0x2800, $0x38;
	[tilespmem:$0xA320] =	vst v63  }
0x1a: {  	_ =	swait.ge [sflag:s9], $0x2800  }
0x1b: {  	[sflag:s9] =	ssyncset.done $0x0  }
0x1c: {  	[sflag:s9] =	ssyncadd.s32 $0xFFFFD800  }
0x1d: {  	[tilespmem:$0x5000] =	vst v1  }
0x1e: {  	[tilespmem:$0x5010] =	vst v1  }
0x1f: {  	[tilespmem:$0x5020] =	vst v1  }
0x20: {  	[tilespmem:$0x5030] =	vst v1  }
0x21: {  	[tilespmem:$0x5040] =	vst v1  }
0x22: {  	[tilespmem:$0x5050] =	vst v1  }
0x23: {  	[tilespmem:$0x5060] =	vst v1  }
0x24: {  	[tilespmem:$0x5070] =	vst v1  }
0x25: {  	[tilespmem:$0x5080] =	vst v1  }
0x26: {  	[tilespmem:$0x5090] =	vst v1  }
0x27: {  	[tilespmem:$0x50A0] =	vst v1  }
0x28: {  	[tilespmem:$0x50B0] =	vst v1  }
0x29: {  	[tilespmem:$0x50C0] =	vst v1  }
0x2a: {  	[tilespmem:$0x50D0] =	vst v1  }
0x2b: {  	[tilespmem:$0x50E0] =	vst v1  }
0x2c: {  	[tilespmem:$0x50F0] =	vst v1  }
0x2d: {  	[tilespmem:$0x5100] =	vst v1  }
0x2e: {  	[tilespmem:$0x5110] =	vst v1  }
0x2f: {  	[tilespmem:$0x5120] =	vst v1  }
0x30: {  	[tilespmem:$0x5130] =	vst v1  }
0x31: {  	[tilespmem:$0x5140] =	vst v1  }
0x32: {  	[tilespmem:$0x5150] =	vst v1  }
0x33: {  	[tilespmem:$0x5160] =	vst v1  }
0x34: {  	[tilespmem:$0x5170] =	vst v1  }
0x35: {  	[tilespmem:$0x5180] =	vst v1  }
0x36: {  	[tilespmem:$0x5190] =	vst v1  }
0x37: {  	[tilespmem:$0x51A0] =	vst v1  }
0x38: {  	[tilespmem:$0x51B0] =	vst v1  }
0x39: {  	[tilespmem:$0x51C0] =	vst v1  }
0x3a: {  	[tilespmem:$0x51D0] =	vst v1  }
0x3b: {  	[tilespmem:$0x51E0] =	vst v1  }
0x3c: {  	[tilespmem:$0x51F0] =	vst v1  }
0x3d: {  	[tilespmem:$0x5200] =	vst v1  }
0x3e: {  	[tilespmem:$0x5210] =	vst v1  }
0x3f: {  	[tilespmem:$0x5220] =	vst v1  }
0x40: {  	[tilespmem:$0x5230] =	vst v1  }
0x41: {  	[tilespmem:$0x5240] =	vst v1  }
0x42: {  	[tilespmem:$0x5250] =	vst v1  }
0x43: {  	[tilespmem:$0x5260] =	vst v1  }
0x44: {  	[tilespmem:$0x5270] =	vst v1  }
0x45: {  	[tilespmem:$0x5280] =	vst v1  }
0x46: {  	[tilespmem:$0x5290] =	vst v1  }
0x47: {  	[tilespmem:$0x52A0] =	vst v1  }
0x48: {  	[tilespmem:$0x52B0] =	vst v1  }
0x49: {  	[tilespmem:$0x52C0] =	vst v1  }
0x4a: {  	[tilespmem:$0x52D0] =	vst v1  }
0x4b: {  	[tilespmem:$0x52E0] =	vst v1  }
0x4c: {  	[tilespmem:$0x52F0] =	vst v1  }
0x4d: {  	[tilespmem:$0x5300] =	vst v1  }
0x4e: {  	[tilespmem:$0x5310] =	vst v1  }
0x4f: {  	[tilespmem:$0x5320] =	vst v1  }
0x50: {  	[tilespmem:$0x5330] =	vst v1  }
0x51: {  	[tilespmem:$0x5340] =	vst v1  }
0x52: {  	[tilespmem:$0x5350] =	vst v1  }
0x53: {  	[tilespmem:$0x5360] =	vst v1  }
0x54: {  	[tilespmem:$0x5370] =	vst v1  }
0x55: {  	[tilespmem:$0x5380] =	vst v1  }
0x56: {  	[tilespmem:$0x5390] =	vst v1  }
0x57: {  	[tilespmem:$0x53A0] =	vst v1  }
0x58: {  	[tilespmem:$0x53B0] =	vst v1  }
0x59: {  	[tilespmem:$0x53C0] =	vst v1  }
0x5a: {  	[tilespmem:$0x53D0] =	vst v1  }
0x5b: {  	[tilespmem:$0x53E0] =	vst v1  }
0x5c: {  	[tilespmem:$0x53F0] =	vst v1  }
0x5d: {  	[tilespmem:$0x5400] =	vst v1  }
0x5e: {  	[tilespmem:$0x5410] =	vst v1  }
0x5f: {  	[tilespmem:$0x5420] =	vst v1  }
0x60: {  	[tilespmem:$0x5430] =	vst v1  }
0x61: {  	[tilespmem:$0x5440] =	vst v1  }
0x62: {  	[tilespmem:$0x5450] =	vst v1  }
0x63: {  	[tilespmem:$0x5460] =	vst v1  }
0x64: {  	[tilespmem:$0x5470] =	vst v1  }
0x65: {  	[tilespmem:$0x5480] =	vst v1  }
0x66: {  	[tilespmem:$0x5490] =	vst v1  }
0x67: {  	[tilespmem:$0x54A0] =	vst v1  }
0x68: {  	[tilespmem:$0x54B0] =	vst v1  }
0x69: {  	[tilespmem:$0x54C0] =	vst v1  }
0x6a: {  	[tilespmem:$0x54D0] =	vst v1  }
0x6b: {  	[tilespmem:$0x54E0] =	vst v1  }
0x6c: {  	[tilespmem:$0x54F0] =	vst v1  }
0x6d: {  	s18 =	simm.s32 $0x5500;
	[bflag:$0x0] =	sbarrier.arrive $0xFFFF  }
0x6e: {  	[spmem:s1] =	stream.indirect.scatter.add.f32 [tilespmem:s12], [sflag:$0x1], $0x10, s18, s11, $0xb8;
	[tilespmem:$0xA320] =	vst v63  }
0x6f: {  	s28 =	simm.s32 $0x5550  }
0x70: {  	[spmem:s1] =	stream.indirect.scatter.add.f32 [tilespmem:s12], [sflag:$0x1], $0x10, s28, s11, $0xb8;
	[tilespmem:$0xA320] =	vst v63  }
0x71: {  	s29 =	simm.s32 $0x55A0  }
0x72: {  	[spmem:s1] =	stream.indirect.scatter.add.f32 [tilespmem:s12], [sflag:$0x1], $0x10, s29, s11, $0xb8;
	[tilespmem:$0xA320] =	vst v63  }
0x73: {  	s30 =	simm.s32 $0x55F0  }
0x74: {  	[spmem:s1] =	stream.indirect.scatter.add.f32 [tilespmem:s12], [sflag:$0x1], $0x10, s30, s11, $0xb8;
	[tilespmem:$0xA320] =	vst v63  }
0x75: {  	s31 =	simm.s32 $0x5640  }
0x76: {  	[spmem:s1] =	stream.indirect.scatter.add.f32 [tilespmem:s12], [sflag:$0x1], $0x10, s31, s11, $0xb8;
	[tilespmem:$0xA320] =	vst v63  }
0x77: {  	_ =	swait.ge [sflag:s13], $0x500  }
0x78: {  	[sflag:s13] =	ssyncset.done $0x0  }
0x79: {  	[sflag:s13] =	ssyncadd.s32 $0xFFFFFB00  }
0x7a: {  	_ =	swait.ge [sflag:s13], $0x500  }
0x7b: {  	[sflag:s13] =	ssyncset.done $0x0  }
0x7c: {  	[sflag:s13] =	ssyncadd.s32 $0xFFFFFB00  }
0x7d: {  	_ =	swait.ge [sflag:s13], $0x500  }
0x7e: {  	[sflag:s13] =	ssyncset.done $0x0  }
0x7f: {  	[sflag:s13] =	ssyncadd.s32 $0xFFFFFB00  }
0x80: {  	_ =	swait.ge [sflag:s13], $0x500  }
0x81: {  	[sflag:s13] =	ssyncset.done $0x0  }
0x82: {  	[sflag:s13] =	ssyncadd.s32 $0xFFFFFB00  }
0x83: {  	_ =	swait.ge [sflag:s13], $0x500  }
0x84: {  	s19 =	simm.s32 $0xC80;
	s18 =	simm.s32 $0x190;
	[sflag:s13] =	ssyncset.done $0x0  }
.LBB2_4:
0x85: {  	s20 =	sadd.s32 $0x5500, s18  }
0x86: {  	[sflag:s13] =	ssyncadd.s32 $0xFFFFFB00;
	s21 =	smov.u32 s19;
	s22 =	sadd.s32 $0x640, s19  }
0x87: {  	[spmem:s1] =	stream.indirect.scatter.add.f32 [tilespmem:s12], [sflag:$0x1], $0x10, s20, s11, $0xb8;
	[tilespmem:$0xA320] =	vst v63  }
0x88: {  	p0 =	sne.s32 s19, $0x13240;
	s19 =	sadd.s32 $0x5550, s18  }
0x89: {  	[spmem:s1] =	stream.indirect.scatter.add.f32 [tilespmem:s12], [sflag:$0x1], $0x10, s19, s11, $0xb8;
	[tilespmem:$0xA320] =	vst v63  }
0x8a: {  	s19 =	sadd.s32 $0x55A0, s18  }
0x8b: {  	[spmem:s1] =	stream.indirect.scatter.add.f32 [tilespmem:s12], [sflag:$0x1], $0x10, s19, s11, $0xb8;
	[tilespmem:$0xA320] =	vst v63  }
0x8c: {  	s19 =	sadd.s32 $0x55F0, s18  }
0x8d: {  	[spmem:s1] =	stream.indirect.scatter.add.f32 [tilespmem:s12], [sflag:$0x1], $0x10, s19, s11, $0xb8;
	[tilespmem:$0xA320] =	vst v63  }
0x8e: {  	s18 =	sadd.s32 $0x5640, s18  }
0x8f: {  	[spmem:s1] =	stream.indirect.scatter.add.f32 [tilespmem:s12], [sflag:$0x1], $0x10, s18, s11, $0xb8;
	[tilespmem:$0xA320] =	vst v63  }
0x90: {  	_ =	swait.ge [sflag:s13], $0x500  }
0x91: {  	[sflag:s13] =	ssyncset.done $0x0  }
0x92: {  	[sflag:s13] =	ssyncadd.s32 $0xFFFFFB00  }
0x93: {  	_ =	swait.ge [sflag:s13], $0x500  }
0x94: {  	[sflag:s13] =	ssyncset.done $0x0  }
0x95: {  	[sflag:s13] =	ssyncadd.s32 $0xFFFFFB00  }
0x96: {  	_ =	swait.ge [sflag:s13], $0x500  }
0x97: {  	[sflag:s13] =	ssyncset.done $0x0  }
0x98: {  	[sflag:s13] =	ssyncadd.s32 $0xFFFFFB00  }
.Ltmp1:
0x99: {  	_ =	swait.ge [sflag:s13], $0x500;
	(pc) =	sbr.rel @p0 .LBB2_4-.Ltmp1, $4  }
0x9a: {  	[sflag:s13] =	ssyncset.done $0x0  }
0x9b: {  	[sflag:s13] =	ssyncadd.s32 $0xFFFFFB00  }
0x9c: {  	_ =	swait.ge [sflag:s13], $0x500  }
0x9d: {  	s19 =	smov.u32 s22;
	s18 =	sshra.s32 s21, $0x2;
	[sflag:s13] =	ssyncset.done $0x0  }
0x9e: {  	s19 =	sadd.s32 $0x5500, s18;
	[sflag:s13] =	ssyncadd.s32 $0xFFFFFB00  }
0x9f: {  	[spmem:s1] =	stream.indirect.scatter.add.f32 [tilespmem:s12], [sflag:$0x1], $0x10, s19, s11, $0xb8;
	[tilespmem:$0xA320] =	vst v63  }
0xa0: {  	s28 =	sadd.s32 $0x5550, s18  }
0xa1: {  	[spmem:s1] =	stream.indirect.scatter.add.f32 [tilespmem:s12], [sflag:$0x1], $0x10, s28, s11, $0xb8;
	[tilespmem:$0xA320] =	vst v63  }
0xa2: {  	s29 =	sadd.s32 $0x55A0, s18  }
0xa3: {  	[spmem:s1] =	stream.indirect.scatter.add.f32 [tilespmem:s12], [sflag:$0x1], $0x10, s29, s11, $0xb8;
	[tilespmem:$0xA320] =	vst v63  }
0xa4: {  	s30 =	sadd.s32 $0x55F0, s18  }
0xa5: {  	[spmem:s1] =	stream.indirect.scatter.add.f32 [tilespmem:s12], [sflag:$0x1], $0x10, s30, s11, $0xb8;
	[tilespmem:$0xA320] =	vst v63  }
0xa6: {  	s31 =	sadd.s32 $0x5640, s18  }
0xa7: {  	[spmem:s1] =	stream.indirect.scatter.add.f32 [tilespmem:s12], [sflag:$0x1], $0x10, s31, s11, $0xb8;
	[tilespmem:$0xA320] =	vst v63  }
0xa8: {  	_ =	swait.ge [sflag:s13], $0x500  }
0xa9: {  	[sflag:s13] =	ssyncset.done $0x0  }
0xaa: {  	[sflag:s13] =	ssyncadd.s32 $0xFFFFFB00  }
0xab: {  	_ =	swait.ge [sflag:s13], $0x500  }
0xac: {  	[sflag:s13] =	ssyncset.done $0x0  }
0xad: {  	[sflag:s13] =	ssyncadd.s32 $0xFFFFFB00  }
0xae: {  	_ =	swait.ge [sflag:s13], $0x500  }
0xaf: {  	[sflag:s13] =	ssyncset.done $0x0  }
0xb0: {  	[sflag:s13] =	ssyncadd.s32 $0xFFFFFB00  }
0xb1: {  	_ =	swait.ge [sflag:s13], $0x500  }
0xb2: {  	[sflag:s13] =	ssyncset.done $0x0  }
0xb3: {  	[sflag:s13] =	ssyncadd.s32 $0xFFFFFB00  }
0xb4: {  	_ =	swait.ge [sflag:s13], $0x500  }
0xb5: {  	s17 =	sadd.s32 $0x1, s17;
	[sflag:s13] =	ssyncset.done $0x0  }
0xb6: {  	p0 =	sne.s32 s17, s5;
	[sflag:s13] =	ssyncadd.s32 $0xFFFFFB00  }
.Ltmp2:
0xb7: {  	[bflag:$0x0] =	sbarrier.arrive $0xFFFF;
	(pc) =	sbr.rel @p0 .LBB2_1-.Ltmp2, $4  }
0xb8: {  	[hbm:s7@s16], [sflag:s14] =	dma.strided [spmem:s15@s9], $0x500, s13, $0x2   }
0xb9: {  	_ =	swait.ge [sflag:s9], $0x500  }
0xba: {  	[sflag:s9] =	ssyncset.done $0x0  }
0xbb: {  	[sflag:s9] =	ssyncadd.s32 $0xFFFFFB00  }
0xbc: {  	_ =	sfence.sel $0x180000  }
0xbd: {  	[bflag:$0x0] =	sbarrier.arrive $0xFFFF  }
0xbe: {  	p0 =	sne.s32 s3, $0x0;
	_ =	strace $0x90000047  }
0xbf: {  	s0 =	sadd.s32 @!p0 $0x100000, s0;
	[bflag:$0x2] =	sbarrier.arrive $0xFFFF  }
0xc0: {  	[sflag:s0] =	ssyncadd.tile.s32 @!p0 $0x1;
	_ =	shalt  }
.Lfunc_end2:
_tile_overlayer_lowered:
.L_overlay_start_2:
0xc1: {  	(tag) =	ssettag $0x2  }
0xc2: {  	s0 =	rddreg [dreg:$0x0];
	s2 =	stileid.u32  }
0xc3: {  	s1 =	rddreg [dreg:$0x1];
	p0 =	sne.s32 s2, $0x0  }
0xc4: {  	s3 =	rddreg [dreg:$0x2];
	[bflag:$0x3] =	sbarrier.arrive $0xFFFF;
	s2 =	simm.s32 @!p0 $0x1C02  }
0xc5: {  	[timem:s3], [sflag:s2] =	dma.local @!p0 [hbm:s0], s1  }
0xc6: {  	s0 =	simm.s32 @!p0 $0x2  }
0xc7: {  	_ =	swait.ge @!p0 [sflag:s0], s1  }
0xc8: {  	s1 =	ssub.s32 @!p0 $0x0, s1;
	[sflag:s0] =	ssyncset.done @!p0 $0x0  }
0xc9: {  	[sflag:s0] =	ssyncadd.s32 @!p0 s1  }
0xca: {  	[bflag:$0x3] =	sbarrier.arrive $0xFFFF  }
0xcb: {  	_ =	shalt  }

</sc_bundles>
